<compile_context>
chip_gen: v7x
topology: tpu7x:2x2x1
jax: 0.10.2.dev20260603
libtpu: 0.0.44.dev20260713+nightly
codegen_flags: <defaults>
</compile_context>

<pallas_src>
import functools

import jax
import jax.numpy as jnp
from jax import lax
from jax.experimental import pallas as pl
from jax.experimental.pallas import tpu as pltpu
from jax.experimental.pallas import tpu_sc as plsc

_NPAD = 2048
_SORT_BLK = 512
_NC, _NS, _L = 2, 16, 16
_NW = _NC * _NS


def _sort_body(c_col_ref, c_row_ref, out_ref):
    g = pl.program_id(0)
    R = _SORT_BLK
    ccol = c_col_ref[...]
    crow = c_row_ref[...]
    ic = lax.broadcasted_iota(jnp.int32, (R, _NPAD), 0) + g * R
    ir = lax.broadcasted_iota(jnp.int32, (R, _NPAD), 1)
    lt = (crow < ccol) | ((crow == ccol) & (ir < ic))
    rank = jnp.sum(lt.astype(jnp.float32), axis=1,
                   keepdims=True).astype(jnp.int32)
    kr = lax.broadcasted_iota(jnp.int32, (R, _NPAD), 1)
    contrib = jnp.sum(jnp.where(rank == kr, ccol, 0.0), axis=0,
                      keepdims=True)

    @pl.when(g == 0)
    def _():
        out_ref[...] = contrib

    @pl.when(g > 0)
    def _():
        out_ref[...] += contrib


def _sort_tc(cali_pad):
    c_col = cali_pad.reshape(_NPAD, 1)
    c_row = cali_pad.reshape(1, _NPAD)
    out = pl.pallas_call(
        _sort_body,
        grid=(_NPAD // _SORT_BLK,),
        in_specs=[
            pl.BlockSpec((_SORT_BLK, 1), lambda i: (i, 0)),
            pl.BlockSpec((1, _NPAD), lambda i: (0, 0)),
        ],
        out_specs=pl.BlockSpec((1, _NPAD), lambda i: (0, 0)),
        out_shape=jax.ShapeDtypeStruct((1, _NPAD), jnp.float32),
    )(c_col, c_row)
    return out.reshape(_NPAD)


def _make_sc_search(B, J, C, N, Q):
    QW = Q // _NW
    ZW = B // _NW
    CHUNK = ZW * J * C

    DIV_SHIFT = 16
    while True:
        DIV_MULT = -(-(1 << DIV_SHIFT) // C)
        if all((k * DIV_MULT) >> DIV_SHIFT == k // C for k in range(QW)):
            break
        DIV_SHIFT += 1
    mesh = plsc.VectorSubcoreMesh(core_axis_name="c", subcore_axis_name="s")

    @functools.partial(
        pl.kernel,
        out_type=jax.ShapeDtypeStruct((Q,), jnp.float32),
        mesh=mesh,
        compiler_params=pltpu.CompilerParams(needs_layout_passes=False),
        scratch_types=[
            pltpu.VMEM((CHUNK,), jnp.float32),
            pltpu.VMEM((_NPAD,), jnp.float32),
            pltpu.VMEM((QW,), jnp.float32),
        ],
    )
    def sc_search(n_hbm, sorted_hbm, out_hbm, n_v, cali_v, out_v):
        wid = lax.axis_index("s") * _NC + lax.axis_index("c")
        pltpu.sync_copy(n_hbm.at[pl.ds(wid * CHUNK, CHUNK)], n_v)
        pltpu.sync_copy(sorted_hbm, cali_v)
        lanes = lax.iota(jnp.int32, _L)

        @plsc.parallel_loop(0, QW // _L, step=1, unroll=4)
        def body(v):
            ql = v * _L + lanes
            z = (ql * DIV_MULT) >> DIV_SHIFT
            i = ql - z * C
            base = z * (J * C) + i
            s = plsc.load_gather(n_v, [base])
            for j in range(1, J):
                s = s + plsc.load_gather(n_v, [base + j * C])
            lo = jnp.zeros((_L,), jnp.int32)
            hi = jnp.full((_L,), _NPAD, jnp.int32)
            for _ in range(11):
                mid = (lo + hi) >> 1
                vv = plsc.load_gather(cali_v, [mid])
                pred = vv < s
                lo = jnp.where(pred, mid + 1, lo)
                hi = jnp.where(pred, hi, mid)
            p = (jnp.float32(N) - lo.astype(jnp.float32)) / jnp.float32(N)
            out_v[pl.ds(v * _L, _L)] = p
        pltpu.sync_copy(out_v, out_hbm.at[pl.ds(wid * QW, QW)])

    return sc_search


def kernel(nonconformity, label_sample, cali_nonconformity):
    B, J, C = nonconformity.shape
    N = cali_nonconformity.shape[0]
    Q = B * C
    cali_pad = jnp.concatenate(
        [cali_nonconformity,
         jnp.full((_NPAD - N,), jnp.inf, jnp.float32)])
    sorted_cali = _sort_tc(cali_pad)
    n_flat = nonconformity.reshape(B * J * C)
    p_flat = _make_sc_search(B, J, C, N, Q)(n_flat, sorted_cali)
    return p_flat.reshape(B, C)

# --- scband reference (transcript-rebuilt; emitter-appended) ---
"""Pipeline reference for scband-dk-nn-layer-26620207301313 (READ-ONLY COPY).

The authoritative reference and input builder live on the scoring server;
editing this copy changes nothing except your own understanding.
"""

import jax, jax.numpy as jnp
import numpy as np


def setup_inputs(seed: int = 0) -> dict:
    key = jax.random.key(seed)
    k1, k2, k3 = jax.random.split(key, 3)
    nonconformity = jax.random.uniform(k1, (4096, 5, 10), dtype=jnp.float32)
    label_sample = jax.random.normal(k2, (10, 64), dtype=jnp.float32)
    # scale calibration scores to roughly match the range of summed nonconformity (sum of 5 uniforms)
    cali_nonconformity = jax.random.uniform(k3, (2000,), dtype=jnp.float32) * 5.0
    return {
        "nonconformity": nonconformity,
        "label_sample": label_sample,
        "cali_nonconformity": cali_nonconformity,
    }


def reference(nonconformity, label_sample, cali_nonconformity):
    # Faithful vectorization of the triple python loop:
    # for each sample z and each class i:
    #   s = sum_j nonconformity[z, j, i]
    #   count = #{c in cali_nonconformity : c >= s}
    #   p[z, i] = count / cali_num
    cali_num = cali_nonconformity.shape[0]
    # label_sample.shape[0] == n_classes == nonconformity.shape[2] (only its shape is used)
    s = jnp.sum(nonconformity, axis=1)  # [B, C]
    ge = (cali_nonconformity[None, None, :] >= s[:, :, None]).astype(jnp.float32)  # [B, C, cali_num]
    count = jnp.sum(ge, axis=-1)  # [B, C]
    p_value_matrix = count / jnp.asarray(cali_num, dtype=jnp.float32)
    return p_value_matrix.astype(jnp.float32)

if __name__ == "__main__":
    import jax
    _d = setup_inputs()
    print(jax.jit(kernel)(*tuple(_d.values())))

</pallas_src>

<mosaic_0001>
#map = affine_map<(d0, d1) -> (0)>
module attributes {stable_mosaic.version = 14 : i64} {
  func.func @sc_search(%arg0: i32, %arg1: i32, %arg2: memref<204800xf32, #tpu.memory_space<hbm>>, %arg3: memref<2048xf32, #tpu.memory_space<hbm>>, %arg4: memref<40960xf32, #tpu.memory_space<hbm>>, %arg5: memref<6400xf32, #tpu.memory_space<vmem>>, %arg6: memref<2048xf32, #tpu.memory_space<vmem>>, %arg7: memref<1280xf32, #tpu.memory_space<vmem>>) attributes {dimension_semantics = [#tpu.dimension_semantics<core_parallel>, #tpu.dimension_semantics<subcore_parallel>], iteration_bounds = array<i64: 2, 16>, scalar_prefetch = 0 : i64, scratch_operands = 3 : i64, tpu.core_type = #tpu.core_type<sc_vector_subcore>, window_params = [{transform_indices = #map}, {transform_indices = #map}, {transform_indices = #map}]} {
    %mul3A = arith.constant 2 : i32
    %mul3A_0 = arith.muli %arg1, %mul3A : i32
    %add3A = arith.addi %mul3A_0, %arg0 : i32
    %mul3A_1 = arith.constant 6400 : i32
    %mul3A_2 = arith.muli %add3A, %mul3A_1 : i32
    "tpu.region"() ({
      %run_scoped3A = tpu.sem_alloc : memref<!tpu.dma_semaphore, #tpu.memory_space<semaphore_mem>>
      %dma_start3A = tpu.memref_slice %arg2[%mul3A_2] : memref<204800xf32, #tpu.memory_space<hbm>> -> memref<6400xf32, #tpu.memory_space<hbm>>
      %dma_start3A_7 = tpu.memref_slice %arg2[%mul3A_2] : memref<204800xf32, #tpu.memory_space<hbm>> -> memref<6400xf32, #tpu.memory_space<hbm>>
      tpu.enqueue_dma source(%dma_start3A_7 : memref<6400xf32, #tpu.memory_space<hbm>>) target(%arg5 : memref<6400xf32, #tpu.memory_space<vmem>>) target_semaphore(%run_scoped3A : memref<!tpu.dma_semaphore, #tpu.memory_space<semaphore_mem>>)
      %dma_wait3A = tpu.memref_slice %arg2[%mul3A_2] : memref<204800xf32, #tpu.memory_space<hbm>> -> memref<6400xf32, #tpu.memory_space<hbm>>
      %dma_wait3A_8 = tpu.memref_slice %arg2[%mul3A_2] : memref<204800xf32, #tpu.memory_space<hbm>> -> memref<6400xf32, #tpu.memory_space<hbm>>
      tpu.wait_dma2 semaphore(%run_scoped3A : memref<!tpu.dma_semaphore, #tpu.memory_space<semaphore_mem>>) src(%dma_wait3A_8 : memref<6400xf32, #tpu.memory_space<hbm>>) dst(%arg5 : memref<6400xf32, #tpu.memory_space<vmem>>)
      tpu.yield
    }) : () -> ()
    "tpu.region"() ({
      %run_scoped3A = tpu.sem_alloc : memref<!tpu.dma_semaphore, #tpu.memory_space<semaphore_mem>>
      tpu.enqueue_dma source(%arg3 : memref<2048xf32, #tpu.memory_space<hbm>>) target(%arg6 : memref<2048xf32, #tpu.memory_space<vmem>>) target_semaphore(%run_scoped3A : memref<!tpu.dma_semaphore, #tpu.memory_space<semaphore_mem>>)
      tpu.wait_dma2 semaphore(%run_scoped3A : memref<!tpu.dma_semaphore, #tpu.memory_space<semaphore_mem>>) src(%arg3 : memref<2048xf32, #tpu.memory_space<hbm>>) dst(%arg6 : memref<2048xf32, #tpu.memory_space<vmem>>)
      tpu.yield
    }) : () -> ()
    %iota3A = tpu.iota {dimensions = array<i32: 0>} : vector<16xi32>
    %parallel_loop3A = arith.constant 0 : i32
    %parallel_loop3A_3 = arith.constant 80 : i32
    %parallel_loop3A_4 = arith.constant 1 : i32
    scf.for %parallel_loop3A_7 = %parallel_loop3A to %parallel_loop3A_3 step %parallel_loop3A_4  : i32 {
      %parallel_loop3A_8 = arith.constant 16 : i32
      %parallel_loop3A_9 = arith.muli %parallel_loop3A_7, %parallel_loop3A_8 : i32
      %parallel_loop3A_10 = vector.broadcast %parallel_loop3A_9 : i32 to vector<16xi32>
      %parallel_loop3A_11 = arith.addi %parallel_loop3A_10, %iota3A : vector<16xi32>
      %parallel_loop3A_12 = arith.constant 6554 : i32
      %parallel_loop3A_13 = vector.broadcast %parallel_loop3A_12 : i32 to vector<16xi32>
      %parallel_loop3A_14 = arith.muli %parallel_loop3A_11, %parallel_loop3A_13 : vector<16xi32>
      %parallel_loop3A_15 = arith.constant 16 : i32
      %parallel_loop3A_16 = vector.broadcast %parallel_loop3A_15 : i32 to vector<16xi32>
      %parallel_loop3A_17 = arith.shrsi %parallel_loop3A_14, %parallel_loop3A_16 : vector<16xi32>
      %parallel_loop3A_18 = arith.constant 10 : i32
      %parallel_loop3A_19 = vector.broadcast %parallel_loop3A_18 : i32 to vector<16xi32>
      %parallel_loop3A_20 = arith.muli %parallel_loop3A_17, %parallel_loop3A_19 : vector<16xi32>
      %parallel_loop3A_21 = arith.subi %parallel_loop3A_11, %parallel_loop3A_20 : vector<16xi32>
      %parallel_loop3A_22 = arith.constant 50 : i32
      %parallel_loop3A_23 = vector.broadcast %parallel_loop3A_22 : i32 to vector<16xi32>
      %parallel_loop3A_24 = arith.muli %parallel_loop3A_17, %parallel_loop3A_23 : vector<16xi32>
      %parallel_loop3A_25 = arith.addi %parallel_loop3A_24, %parallel_loop3A_21 : vector<16xi32>
      %parallel_loop3A_26 = tpu.vector_load_idx %arg5[%parallel_loop3A_25] : memref<6400xf32, #tpu.memory_space<vmem>>[vector<16xi32>], vector<16xf32>,
      %parallel_loop3A_27 = arith.constant 10 : i32
      %parallel_loop3A_28 = vector.broadcast %parallel_loop3A_27 : i32 to vector<16xi32>
      %parallel_loop3A_29 = arith.addi %parallel_loop3A_25, %parallel_loop3A_28 : vector<16xi32>
      %parallel_loop3A_30 = tpu.vector_load_idx %arg5[%parallel_loop3A_29] : memref<6400xf32, #tpu.memory_space<vmem>>[vector<16xi32>], vector<16xf32>,
      %parallel_loop3A_31 = arith.addf %parallel_loop3A_26, %parallel_loop3A_30 : vector<16xf32>
      %parallel_loop3A_32 = arith.constant 20 : i32
      %parallel_loop3A_33 = vector.broadcast %parallel_loop3A_32 : i32 to vector<16xi32>
      %parallel_loop3A_34 = arith.addi %parallel_loop3A_25, %parallel_loop3A_33 : vector<16xi32>
      %parallel_loop3A_35 = tpu.vector_load_idx %arg5[%parallel_loop3A_34] : memref<6400xf32, #tpu.memory_space<vmem>>[vector<16xi32>], vector<16xf32>,
      %parallel_loop3A_36 = arith.addf %parallel_loop3A_31, %parallel_loop3A_35 : vector<16xf32>
      %parallel_loop3A_37 = arith.constant 30 : i32
      %parallel_loop3A_38 = vector.broadcast %parallel_loop3A_37 : i32 to vector<16xi32>
      %parallel_loop3A_39 = arith.addi %parallel_loop3A_25, %parallel_loop3A_38 : vector<16xi32>
      %parallel_loop3A_40 = tpu.vector_load_idx %arg5[%parallel_loop3A_39] : memref<6400xf32, #tpu.memory_space<vmem>>[vector<16xi32>], vector<16xf32>,
      %parallel_loop3A_41 = arith.addf %parallel_loop3A_36, %parallel_loop3A_40 : vector<16xf32>
      %parallel_loop3A_42 = arith.constant 40 : i32
      %parallel_loop3A_43 = vector.broadcast %parallel_loop3A_42 : i32 to vector<16xi32>
      %parallel_loop3A_44 = arith.addi %parallel_loop3A_25, %parallel_loop3A_43 : vector<16xi32>
      %parallel_loop3A_45 = tpu.vector_load_idx %arg5[%parallel_loop3A_44] : memref<6400xf32, #tpu.memory_space<vmem>>[vector<16xi32>], vector<16xf32>,
      %parallel_loop3A_46 = arith.addf %parallel_loop3A_41, %parallel_loop3A_45 : vector<16xf32>
      %parallel_loop3A_47 = arith.constant 0 : i32
      %parallel_loop3A_48 = vector.broadcast %parallel_loop3A_47 : i32 to vector<16xi32>
      %parallel_loop3A_49 = arith.constant 2048 : i32
      %parallel_loop3A_50 = vector.broadcast %parallel_loop3A_49 : i32 to vector<16xi32>
      %parallel_loop3A_51 = arith.addi %parallel_loop3A_48, %parallel_loop3A_50 : vector<16xi32>
      %parallel_loop3A_52 = arith.constant 1 : i32
      %parallel_loop3A_53 = vector.broadcast %parallel_loop3A_52 : i32 to vector<16xi32>
      %parallel_loop3A_54 = arith.shrsi %parallel_loop3A_51, %parallel_loop3A_53 : vector<16xi32>
      %parallel_loop3A_55 = tpu.vector_load_idx %arg6[%parallel_loop3A_54] : memref<2048xf32, #tpu.memory_space<vmem>>[vector<16xi32>], vector<16xf32>,
      %parallel_loop3A_56 = arith.cmpf olt, %parallel_loop3A_55, %parallel_loop3A_46 : vector<16xf32>
      %parallel_loop3A_57 = arith.constant 1 : i32
      %parallel_loop3A_58 = vector.broadcast %parallel_loop3A_57 : i32 to vector<16xi32>
      %parallel_loop3A_59 = arith.addi %parallel_loop3A_54, %parallel_loop3A_58 : vector<16xi32>
      %parallel_loop3A_60 = arith.select %parallel_loop3A_56, %parallel_loop3A_59, %parallel_loop3A_48 : vector<16xi1>, vector<16xi32>
      %parallel_loop3A_61 = arith.select %parallel_loop3A_56, %parallel_loop3A_50, %parallel_loop3A_54 : vector<16xi1>, vector<16xi32>
      %parallel_loop3A_62 = arith.addi %parallel_loop3A_60, %parallel_loop3A_61 : vector<16xi32>
      %parallel_loop3A_63 = arith.constant 1 : i32
      %parallel_loop3A_64 = vector.broadcast %parallel_loop3A_63 : i32 to vector<16xi32>
      %parallel_loop3A_65 = arith.shrsi %parallel_loop3A_62, %parallel_loop3A_64 : vector<16xi32>
      %parallel_loop3A_66 = tpu.vector_load_idx %arg6[%parallel_loop3A_65] : memref<2048xf32, #tpu.memory_space<vmem>>[vector<16xi32>], vector<16xf32>,
      %parallel_loop3A_67 = arith.cmpf olt, %parallel_loop3A_66, %parallel_loop3A_46 : vector<16xf32>
      %parallel_loop3A_68 = arith.constant 1 : i32
      %parallel_loop3A_69 = vector.broadcast %parallel_loop3A_68 : i32 to vector<16xi32>
      %parallel_loop3A_70 = arith.addi %parallel_loop3A_65, %parallel_loop3A_69 : vector<16xi32>
      %parallel_loop3A_71 = arith.select %parallel_loop3A_67, %parallel_loop3A_70, %parallel_loop3A_60 : vector<16xi1>, vector<16xi32>
      %parallel_loop3A_72 = arith.select %parallel_loop3A_67, %parallel_loop3A_61, %parallel_loop3A_65 : vector<16xi1>, vector<16xi32>
      %parallel_loop3A_73 = arith.addi %parallel_loop3A_71, %parallel_loop3A_72 : vector<16xi32>
      %parallel_loop3A_74 = arith.constant 1 : i32
      %parallel_loop3A_75 = vector.broadcast %parallel_loop3A_74 : i32 to vector<16xi32>
      %parallel_loop3A_76 = arith.shrsi %parallel_loop3A_73, %parallel_loop3A_75 : vector<16xi32>
      %parallel_loop3A_77 = tpu.vector_load_idx %arg6[%parallel_loop3A_76] : memref<2048xf32, #tpu.memory_space<vmem>>[vector<16xi32>], vector<16xf32>,
      %parallel_loop3A_78 = arith.cmpf olt, %parallel_loop3A_77, %parallel_loop3A_46 : vector<16xf32>
      %parallel_loop3A_79 = arith.constant 1 : i32
      %parallel_loop3A_80 = vector.broadcast %parallel_loop3A_79 : i32 to vector<16xi32>
      %parallel_loop3A_81 = arith.addi %parallel_loop3A_76, %parallel_loop3A_80 : vector<16xi32>
      %parallel_loop3A_82 = arith.select %parallel_loop3A_78, %parallel_loop3A_81, %parallel_loop3A_71 : vector<16xi1>, vector<16xi32>
      %parallel_loop3A_83 = arith.select %parallel_loop3A_78, %parallel_loop3A_72, %parallel_loop3A_76 : vector<16xi1>, vector<16xi32>
      %parallel_loop3A_84 = arith.addi %parallel_loop3A_82, %parallel_loop3A_83 : vector<16xi32>
      %parallel_loop3A_85 = arith.constant 1 : i32
      %parallel_loop3A_86 = vector.broadcast %parallel_loop3A_85 : i32 to vector<16xi32>
      %parallel_loop3A_87 = arith.shrsi %parallel_loop3A_84, %parallel_loop3A_86 : vector<16xi32>
      %parallel_loop3A_88 = tpu.vector_load_idx %arg6[%parallel_loop3A_87] : memref<2048xf32, #tpu.memory_space<vmem>>[vector<16xi32>], vector<16xf32>,
      %parallel_loop3A_89 = arith.cmpf olt, %parallel_loop3A_88, %parallel_loop3A_46 : vector<16xf32>
      %parallel_loop3A_90 = arith.constant 1 : i32
      %parallel_loop3A_91 = vector.broadcast %parallel_loop3A_90 : i32 to vector<16xi32>
      %parallel_loop3A_92 = arith.addi %parallel_loop3A_87, %parallel_loop3A_91 : vector<16xi32>
      %parallel_loop3A_93 = arith.select %parallel_loop3A_89, %parallel_loop3A_92, %parallel_loop3A_82 : vector<16xi1>, vector<16xi32>
      %parallel_loop3A_94 = arith.select %parallel_loop3A_89, %parallel_loop3A_83, %parallel_loop3A_87 : vector<16xi1>, vector<16xi32>
      %parallel_loop3A_95 = arith.addi %parallel_loop3A_93, %parallel_loop3A_94 : vector<16xi32>
      %parallel_loop3A_96 = arith.constant 1 : i32
      %parallel_loop3A_97 = vector.broadcast %parallel_loop3A_96 : i32 to vector<16xi32>
      %parallel_loop3A_98 = arith.shrsi %parallel_loop3A_95, %parallel_loop3A_97 : vector<16xi32>
      %parallel_loop3A_99 = tpu.vector_load_idx %arg6[%parallel_loop3A_98] : memref<2048xf32, #tpu.memory_space<vmem>>[vector<16xi32>], vector<16xf32>,
      %parallel_loop3A_100 = arith.cmpf olt, %parallel_loop3A_99, %parallel_loop3A_46 : vector<16xf32>
      %parallel_loop3A_101 = arith.constant 1 : i32
      %parallel_loop3A_102 = vector.broadcast %parallel_loop3A_101 : i32 to vector<16xi32>
      %parallel_loop3A_103 = arith.addi %parallel_loop3A_98, %parallel_loop3A_102 : vector<16xi32>
      %parallel_loop3A_104 = arith.select %parallel_loop3A_100, %parallel_loop3A_103, %parallel_loop3A_93 : vector<16xi1>, vector<16xi32>
      %parallel_loop3A_105 = arith.select %parallel_loop3A_100, %parallel_loop3A_94, %parallel_loop3A_98 : vector<16xi1>, vector<16xi32>
      %parallel_loop3A_106 = arith.addi %parallel_loop3A_104, %parallel_loop3A_105 : vector<16xi32>
      %parallel_loop3A_107 = arith.constant 1 : i32
      %parallel_loop3A_108 = vector.broadcast %parallel_loop3A_107 : i32 to vector<16xi32>
      %parallel_loop3A_109 = arith.shrsi %parallel_loop3A_106, %parallel_loop3A_108 : vector<16xi32>
      %parallel_loop3A_110 = tpu.vector_load_idx %arg6[%parallel_loop3A_109] : memref<2048xf32, #tpu.memory_space<vmem>>[vector<16xi32>], vector<16xf32>,
      %parallel_loop3A_111 = arith.cmpf olt, %parallel_loop3A_110, %parallel_loop3A_46 : vector<16xf32>
      %parallel_loop3A_112 = arith.constant 1 : i32
      %parallel_loop3A_113 = vector.broadcast %parallel_loop3A_112 : i32 to vector<16xi32>
      %parallel_loop3A_114 = arith.addi %parallel_loop3A_109, %parallel_loop3A_113 : vector<16xi32>
      %parallel_loop3A_115 = arith.select %parallel_loop3A_111, %parallel_loop3A_114, %parallel_loop3A_104 : vector<16xi1>, vector<16xi32>
      %parallel_loop3A_116 = arith.select %parallel_loop3A_111, %parallel_loop3A_105, %parallel_loop3A_109 : vector<16xi1>, vector<16xi32>
      %parallel_loop3A_117 = arith.addi %parallel_loop3A_115, %parallel_loop3A_116 : vector<16xi32>
      %parallel_loop3A_118 = arith.constant 1 : i32
      %parallel_loop3A_119 = vector.broadcast %parallel_loop3A_118 : i32 to vector<16xi32>
      %parallel_loop3A_120 = arith.shrsi %parallel_loop3A_117, %parallel_loop3A_119 : vector<16xi32>
      %parallel_loop3A_121 = tpu.vector_load_idx %arg6[%parallel_loop3A_120] : memref<2048xf32, #tpu.memory_space<vmem>>[vector<16xi32>], vector<16xf32>,
      %parallel_loop3A_122 = arith.cmpf olt, %parallel_loop3A_121, %parallel_loop3A_46 : vector<16xf32>
      %parallel_loop3A_123 = arith.constant 1 : i32
      %parallel_loop3A_124 = vector.broadcast %parallel_loop3A_123 : i32 to vector<16xi32>
      %parallel_loop3A_125 = arith.addi %parallel_loop3A_120, %parallel_loop3A_124 : vector<16xi32>
      %parallel_loop3A_126 = arith.select %parallel_loop3A_122, %parallel_loop3A_125, %parallel_loop3A_115 : vector<16xi1>, vector<16xi32>
      %parallel_loop3A_127 = arith.select %parallel_loop3A_122, %parallel_loop3A_116, %parallel_loop3A_120 : vector<16xi1>, vector<16xi32>
      %parallel_loop3A_128 = arith.addi %parallel_loop3A_126, %parallel_loop3A_127 : vector<16xi32>
      %parallel_loop3A_129 = arith.constant 1 : i32
      %parallel_loop3A_130 = vector.broadcast %parallel_loop3A_129 : i32 to vector<16xi32>
      %parallel_loop3A_131 = arith.shrsi %parallel_loop3A_128, %parallel_loop3A_130 : vector<16xi32>
      %parallel_loop3A_132 = tpu.vector_load_idx %arg6[%parallel_loop3A_131] : memref<2048xf32, #tpu.memory_space<vmem>>[vector<16xi32>], vector<16xf32>,
      %parallel_loop3A_133 = arith.cmpf olt, %parallel_loop3A_132, %parallel_loop3A_46 : vector<16xf32>
      %parallel_loop3A_134 = arith.constant 1 : i32
      %parallel_loop3A_135 = vector.broadcast %parallel_loop3A_134 : i32 to vector<16xi32>
      %parallel_loop3A_136 = arith.addi %parallel_loop3A_131, %parallel_loop3A_135 : vector<16xi32>
      %parallel_loop3A_137 = arith.select %parallel_loop3A_133, %parallel_loop3A_136, %parallel_loop3A_126 : vector<16xi1>, vector<16xi32>
      %parallel_loop3A_138 = arith.select %parallel_loop3A_133, %parallel_loop3A_127, %parallel_loop3A_131 : vector<16xi1>, vector<16xi32>
      %parallel_loop3A_139 = arith.addi %parallel_loop3A_137, %parallel_loop3A_138 : vector<16xi32>
      %parallel_loop3A_140 = arith.constant 1 : i32
      %parallel_loop3A_141 = vector.broadcast %parallel_loop3A_140 : i32 to vector<16xi32>
      %parallel_loop3A_142 = arith.shrsi %parallel_loop3A_139, %parallel_loop3A_141 : vector<16xi32>
      %parallel_loop3A_143 = tpu.vector_load_idx %arg6[%parallel_loop3A_142] : memref<2048xf32, #tpu.memory_space<vmem>>[vector<16xi32>], vector<16xf32>,
      %parallel_loop3A_144 = arith.cmpf olt, %parallel_loop3A_143, %parallel_loop3A_46 : vector<16xf32>
      %parallel_loop3A_145 = arith.constant 1 : i32
      %parallel_loop3A_146 = vector.broadcast %parallel_loop3A_145 : i32 to vector<16xi32>
      %parallel_loop3A_147 = arith.addi %parallel_loop3A_142, %parallel_loop3A_146 : vector<16xi32>
      %parallel_loop3A_148 = arith.select %parallel_loop3A_144, %parallel_loop3A_147, %parallel_loop3A_137 : vector<16xi1>, vector<16xi32>
      %parallel_loop3A_149 = arith.select %parallel_loop3A_144, %parallel_loop3A_138, %parallel_loop3A_142 : vector<16xi1>, vector<16xi32>
      %parallel_loop3A_150 = arith.addi %parallel_loop3A_148, %parallel_loop3A_149 : vector<16xi32>
      %parallel_loop3A_151 = arith.constant 1 : i32
      %parallel_loop3A_152 = vector.broadcast %parallel_loop3A_151 : i32 to vector<16xi32>
      %parallel_loop3A_153 = arith.shrsi %parallel_loop3A_150, %parallel_loop3A_152 : vector<16xi32>
      %parallel_loop3A_154 = tpu.vector_load_idx %arg6[%parallel_loop3A_153] : memref<2048xf32, #tpu.memory_space<vmem>>[vector<16xi32>], vector<16xf32>,
      %parallel_loop3A_155 = arith.cmpf olt, %parallel_loop3A_154, %parallel_loop3A_46 : vector<16xf32>
      %parallel_loop3A_156 = arith.constant 1 : i32
      %parallel_loop3A_157 = vector.broadcast %parallel_loop3A_156 : i32 to vector<16xi32>
      %parallel_loop3A_158 = arith.addi %parallel_loop3A_153, %parallel_loop3A_157 : vector<16xi32>
      %parallel_loop3A_159 = arith.select %parallel_loop3A_155, %parallel_loop3A_158, %parallel_loop3A_148 : vector<16xi1>, vector<16xi32>
      %parallel_loop3A_160 = arith.select %parallel_loop3A_155, %parallel_loop3A_149, %parallel_loop3A_153 : vector<16xi1>, vector<16xi32>
      %parallel_loop3A_161 = arith.addi %parallel_loop3A_159, %parallel_loop3A_160 : vector<16xi32>
      %parallel_loop3A_162 = arith.constant 1 : i32
      %parallel_loop3A_163 = vector.broadcast %parallel_loop3A_162 : i32 to vector<16xi32>
      %parallel_loop3A_164 = arith.shrsi %parallel_loop3A_161, %parallel_loop3A_163 : vector<16xi32>
      %parallel_loop3A_165 = tpu.vector_load_idx %arg6[%parallel_loop3A_164] : memref<2048xf32, #tpu.memory_space<vmem>>[vector<16xi32>], vector<16xf32>,
      %parallel_loop3A_166 = arith.cmpf olt, %parallel_loop3A_165, %parallel_loop3A_46 : vector<16xf32>
      %parallel_loop3A_167 = arith.constant 1 : i32
      %parallel_loop3A_168 = vector.broadcast %parallel_loop3A_167 : i32 to vector<16xi32>
      %parallel_loop3A_169 = arith.addi %parallel_loop3A_164, %parallel_loop3A_168 : vector<16xi32>
      %parallel_loop3A_170 = arith.select %parallel_loop3A_166, %parallel_loop3A_169, %parallel_loop3A_159 : vector<16xi1>, vector<16xi32>
      %parallel_loop3A_171 = arith.select %parallel_loop3A_166, %parallel_loop3A_160, %parallel_loop3A_164 : vector<16xi1>, vector<16xi32>
      %parallel_loop3A_172 = arith.sitofp %parallel_loop3A_170 : vector<16xi32> to vector<16xf32>
      %parallel_loop3A_173 = arith.constant 2.000000e+03 : f32
      %parallel_loop3A_174 = vector.broadcast %parallel_loop3A_173 : f32 to vector<16xf32>
      %parallel_loop3A_175 = arith.subf %parallel_loop3A_174, %parallel_loop3A_172 : vector<16xf32>
      %parallel_loop3A_176 = arith.constant 2.000000e+03 : f32
      %parallel_loop3A_177 = vector.broadcast %parallel_loop3A_176 : f32 to vector<16xf32>
      %parallel_loop3A_178 = arith.divf %parallel_loop3A_175, %parallel_loop3A_177 : vector<16xf32>
      %parallel_loop3A_179 = arith.constant 16 : i32
      %parallel_loop3A_180 = arith.muli %parallel_loop3A_7, %parallel_loop3A_179 : i32
      %parallel_loop3A_181 = arith.index_cast %parallel_loop3A_180 : i32 to index
      %parallel_loop3A_182 = tpu.vector_load %arg7[%parallel_loop3A_181] {strides = array<i32>} : memref<1280xf32, #tpu.memory_space<vmem>>, vector<16xf32>,
      tpu.vector_store %arg7[%parallel_loop3A_181], %parallel_loop3A_178 {strides = array<i32>} : memref<1280xf32, #tpu.memory_space<vmem>>, vector<16xf32>,
    } {sc.loop_unroll_factor = 4 : i64, sc.parallel_access}
    %mul3A_5 = arith.constant 1280 : i32
    %mul3A_6 = arith.muli %add3A, %mul3A_5 : i32
    "tpu.region"() ({
      %run_scoped3A = tpu.sem_alloc : memref<!tpu.dma_semaphore, #tpu.memory_space<semaphore_mem>>
      %dma_start3A = tpu.memref_slice %arg4[%mul3A_6] : memref<40960xf32, #tpu.memory_space<hbm>> -> memref<1280xf32, #tpu.memory_space<hbm>>
      %dma_start3A_7 = tpu.memref_slice %arg4[%mul3A_6] : memref<40960xf32, #tpu.memory_space<hbm>> -> memref<1280xf32, #tpu.memory_space<hbm>>
      tpu.enqueue_dma source(%arg7 : memref<1280xf32, #tpu.memory_space<vmem>>) target(%dma_start3A_7 : memref<1280xf32, #tpu.memory_space<hbm>>) target_semaphore(%run_scoped3A : memref<!tpu.dma_semaphore, #tpu.memory_space<semaphore_mem>>)
      %dma_wait3A = tpu.memref_slice %arg4[%mul3A_6] : memref<40960xf32, #tpu.memory_space<hbm>> -> memref<1280xf32, #tpu.memory_space<hbm>>
      %dma_wait3A_8 = tpu.memref_slice %arg4[%mul3A_6] : memref<40960xf32, #tpu.memory_space<hbm>> -> memref<1280xf32, #tpu.memory_space<hbm>>
      tpu.wait_dma2 semaphore(%run_scoped3A : memref<!tpu.dma_semaphore, #tpu.memory_space<semaphore_mem>>) src(%arg7 : memref<1280xf32, #tpu.memory_space<vmem>>) dst(%dma_wait3A_8 : memref<1280xf32, #tpu.memory_space<hbm>>)
      tpu.yield
    }) : () -> ()
    return
  }
}

module attributes {stable_mosaic.version = 14 : i64} {
  func.func @_sort_body(%arg0: i32, %arg1: memref<512x1xf32, #tpu.memory_space<vmem>>, %arg2: memref<1x2048xf32, #tpu.memory_space<vmem>>, %arg3: memref<1x2048xf32, #tpu.memory_space<vmem>>) attributes {dimension_semantics = [#tpu.dimension_semantics<arbitrary>], iteration_bounds = array<i64: 4>, scalar_prefetch = 0 : i64, scratch_operands = 0 : i64, tpu.core_type = #tpu.core_type<tc>, window_params = [{transform_indices = @transform_0, window_bounds = array<i64: 512, 1>}, {pipeline_mode = #tpu.pipeline_mode<synchronous>, transform_indices = @transform_1, window_bounds = array<i64: 1, 2048>}, {pipeline_mode = #tpu.pipeline_mode<synchronous>, transform_indices = @transform_2, window_bounds = array<i64: 1, 2048>}]} {
    %get3A = arith.constant 0 : index
    %get3A_0 = arith.constant 0 : index
    %get3A_1 = vector.load %arg1[%get3A, %get3A_0] : memref<512x1xf32, #tpu.memory_space<vmem>>, vector<512x1xf32>
    %get3A_2 = arith.constant 0 : index
    %get3A_3 = arith.constant 0 : index
    %get3A_4 = vector.load %arg2[%get3A_2, %get3A_3] : memref<1x2048xf32, #tpu.memory_space<vmem>>, vector<1x2048xf32>
    %iota3A = tpu.iota {dimensions = array<i32: 0>} : vector<512x2048xi32>
    %mul3A = arith.constant 512 : i32
    %mul3A_5 = arith.muli %arg0, %mul3A : i32
    %add3A = vector.broadcast %mul3A_5 : i32 to vector<512x2048xi32>
    %add3A_6 = arith.addi %iota3A, %add3A : vector<512x2048xi32>
    %iota3A_7 = tpu.iota {dimensions = array<i32: 1>} : vector<512x2048xi32>
    %lt3A = vector.broadcast %get3A_4 : vector<1x2048xf32> to vector<512x2048xf32>
    %lt3A_8 = vector.broadcast %get3A_1 : vector<512x1xf32> to vector<512x2048xf32>
    %lt3A_9 = arith.cmpf olt, %lt3A, %lt3A_8 : vector<512x2048xf32>
    %eq3A = vector.broadcast %get3A_4 : vector<1x2048xf32> to vector<512x2048xf32>
    %eq3A_10 = vector.broadcast %get3A_1 : vector<512x1xf32> to vector<512x2048xf32>
    %eq3A_11 = arith.cmpf oeq, %eq3A, %eq3A_10 : vector<512x2048xf32>
    %lt3A_12 = arith.cmpi slt, %iota3A_7, %add3A_6 : vector<512x2048xi32>
    %and3A = arith.andi %eq3A_11, %lt3A_12 : vector<512x2048xi1>
    %or3A = arith.ori %lt3A_9, %and3A : vector<512x2048xi1>
    %convert_element_type3A = arith.extui %or3A : vector<512x2048xi1> to vector<512x2048xi32>
    %convert_element_type3A_13 = arith.sitofp %convert_element_type3A : vector<512x2048xi32> to vector<512x2048xf32>
    %reduce_sum3A = arith.constant dense<0.000000e+00> : vector<512xf32>
    %reduce_sum3A_14 = vector.multi_reduction <add>, %convert_element_type3A_13, %reduce_sum3A [1] : vector<512x2048xf32> to vector<512xf32>
    %broadcast_in_dim3A = vector.shape_cast %reduce_sum3A_14 : vector<512xf32> to vector<512x1xf32>
    %convert_element_type3A_15 = arith.fptosi %broadcast_in_dim3A : vector<512x1xf32> to vector<512x1xi32>
    %iota3A_16 = tpu.iota {dimensions = array<i32: 1>} : vector<512x2048xi32>
    %eq3A_17 = vector.broadcast %convert_element_type3A_15 : vector<512x1xi32> to vector<512x2048xi32>
    %eq3A_18 = arith.cmpi eq, %eq3A_17, %iota3A_16 : vector<512x2048xi32>
    %jit3A = arith.constant 0.000000e+00 : f32
    %broadcast_in_dim3A_19 = vector.shape_cast %get3A_1 : vector<512x1xf32> to vector<512x1xf32>
    %broadcast_in_dim3A_20 = vector.broadcast %broadcast_in_dim3A_19 : vector<512x1xf32> to vector<512x2048xf32>
    %broadcast_in_dim3A_21 = vector.broadcast %jit3A : f32 to vector<512x2048xf32>
    %select_n3A = arith.select %eq3A_18, %broadcast_in_dim3A_20, %broadcast_in_dim3A_21 : vector<512x2048xi1>, vector<512x2048xf32>
    %reduce_sum3A_22 = arith.constant dense<0.000000e+00> : vector<2048xf32>
    %reduce_sum3A_23 = vector.multi_reduction <add>, %select_n3A, %reduce_sum3A_22 [0] : vector<512x2048xf32> to vector<2048xf32>
    %broadcast_in_dim3A_24 = vector.shape_cast %reduce_sum3A_23 : vector<2048xf32> to vector<1x2048xf32>
    %eq3A_25 = arith.constant 0 : i32
    %eq3A_26 = arith.cmpi eq, %arg0, %eq3A_25 : i32
    %convert_element_type3A_27 = arith.extui %eq3A_26 : i1 to i32
    %cond3A = arith.constant 0 : i32
    %cond3A_28 = arith.cmpi ne, %convert_element_type3A_27, %cond3A : i32
    scf.if %cond3A_28 {
      %swap3A = arith.constant 0 : index
      %swap3A_33 = arith.constant 0 : index
      %swap3A_34 = vector.load %arg3[%swap3A, %swap3A_33] : memref<1x2048xf32, #tpu.memory_space<vmem>>, vector<1x2048xf32>
      tpu.vector_store %arg3[%swap3A, %swap3A_33], %broadcast_in_dim3A_24 {strides = array<i32>} : memref<1x2048xf32, #tpu.memory_space<vmem>>, vector<1x2048xf32>,
    } else {
    }
    %gt3A = arith.constant 0 : i32
    %gt3A_29 = arith.cmpi sgt, %arg0, %gt3A : i32
    %convert_element_type3A_30 = arith.extui %gt3A_29 : i1 to i32
    %cond3A_31 = arith.constant 0 : i32
    %cond3A_32 = arith.cmpi ne, %convert_element_type3A_30, %cond3A_31 : i32
    scf.if %cond3A_32 {
      %get3A_33 = arith.constant 0 : index
      %get3A_34 = arith.constant 0 : index
      %get3A_35 = vector.load %arg3[%get3A_33, %get3A_34] : memref<1x2048xf32, #tpu.memory_space<vmem>>, vector<1x2048xf32>
      %add3A_36 = arith.addf %get3A_35, %broadcast_in_dim3A_24 : vector<1x2048xf32>
      %swap3A = arith.constant 0 : index
      %swap3A_37 = arith.constant 0 : index
      %swap3A_38 = vector.load %arg3[%swap3A, %swap3A_37] : memref<1x2048xf32, #tpu.memory_space<vmem>>, vector<1x2048xf32>
      tpu.vector_store %arg3[%swap3A, %swap3A_37], %add3A_36 {strides = array<i32>} : memref<1x2048xf32, #tpu.memory_space<vmem>>, vector<1x2048xf32>,
    } else {
    }
    return
  }
  func.func @transform_0(%arg0: i32) -> (i32, i32) {
    %c0_i32 = arith.constant 0 : i32
    %c0_i32_0 = arith.constant 0 : i32
    return %arg0, %c0_i32 : i32, i32
  }
  func.func @transform_1(%arg0: i32) -> (i32, i32) {
    %c0_i32 = arith.constant 0 : i32
    %c0_i32_0 = arith.constant 0 : i32
    %c0_i32_1 = arith.constant 0 : i32
    return %c0_i32, %c0_i32_0 : i32, i32
  }
  func.func @transform_2(%arg0: i32) -> (i32, i32) {
    %c0_i32 = arith.constant 0 : i32
    %c0_i32_0 = arith.constant 0 : i32
    %c0_i32_1 = arith.constant 0 : i32
    return %c0_i32, %c0_i32_0 : i32, i32
  }
}

</mosaic_0001>

<sc_bundles>
// kernel: kernel.4.cloned.1.call-start
scs
__scs_entry_jumppad:
0x0: {  	(pc) =	sbr.rel $0x88, $3  }
0x1: {  	(tag) =	ssettag $0x0;
	lr =	simm.s32 $0x1  }
0x2: {  	[smem:$0x3F9F] =	sst lr;
	_ =	strace $0xD0000000  }
0x3: {  	_ = 	snop  }
0x4: {  	_ = 	snop  }
0x5: {  	_ = 	snop  }
0x6: {  	_ = 	snop  }
0x7: {  	_ = 	snop  }
__scs_overlays_trampoline_lowered:
0x8: {  	[smem:$0x3FAE] =	sst s0  }
0x9: {  	[smem:$0x3FAF] =	sst s1  }
0xa: {  	[smem:$0x3FB0] =	sst s2  }
0xb: {  	[smem:$0x3FB1] =	sst s3  }
0xc: {  	[smem:$0x3FB2] =	sst s4  }
0xd: {  	[smem:$0x3FB3] =	sst s5  }
0xe: {  	[smem:$0x3FB4] =	sst s6  }
0xf: {  	[smem:$0x3FB5] =	sst s7  }
0x10: {  	[smem:$0x3FB6] =	sst s8  }
0x11: {  	[smem:$0x3FB7] =	sst s9;
	s0 =	simm.s32 @!p0 $0x0  }
0x12: {  	s1 =	sld [smem:$0x3F9D];
	s0 =	simm.s32 @p0 $0x1  }
0x13: {  	[smem:$0x3FB8] =	sst s0;
	s0 =	simm.s32 @!p1 $0x0  }
0x14: {  	s2 =	sld [smem:$0x3F9C];
	s0 =	simm.s32 @p1 $0x1  }
0x15: {  	[smem:$0x3FB9] =	sst s0;
	s0 =	simm.s32 @!p2 $0x0  }
0x16: {  	s3 =	sld [smem:$0x3FDB];
	s0 =	simm.s32 @p2 $0x1  }
0x17: {  	s4 =	simm.s32 $0x1BF5;
	[smem:$0x3FBB] =	sst s0  }
0x18: {  	s0 =	sld [smem:$0x3F9E];
	_ =	swait.ge [sflag:s4], $0x0  }
0x19: {  	s7 =	sld [smem:$0x3F9F]  }
0x1a: {  	s8 =	sadd.s32 $0xFFFFE003, lr  }
0x1b: {  	s9 =	sadd.s32 $0xFFFFFEF7, lr;
	s5 =	simm.s32 $0xFFFFFFFF;
	p2 =	slt.u32 s8, $0xFFFFF086  }
0x1c: {  	p1 =	slt.u32 s9, $0xF7A;
	s5 =	simm.s32 @!p2 $0x0  }
0x1d: {  	s5 =	simm.s32 @p1 $0x1;
	p0 =	seq.s32 s7, s2  }
0x1e: {  	s7 =	smul.u32 @!p0 $0xF7A, s2;
	p2 =	seq.s32 @!p0 s5, $0x0  }
0x1f: {  	s9 =	smul.u32 $0xF7A, s1;
	s8 =	simm.s32 @!p0 $0x1BF5;
	p2 =	por !p2, p0  }
0x20: {  	[sflag:s8] =	ssyncset.s32 @!p0 $0xFFFFF086;
	s6 =	sadd.s32 @!p0 s3, s7;
	s7 =	simm.s32 @!p0 $0x108  }
0x21: {  	s3 =	sadd.s32 s3, s9;
	s6 =	sadd.s32 @!p0 $0x88, s6;
	s7 =	simm.s32 @p2 $0x1082  }
0x22: {  	[simem:s7], [sflag:s8] =	dma.local @!p0 [hbm:s6], $0xF7A  }
0x23: {  	s9 =	sor.u32 $0xD0000000, s2;
	s6 =	simm.s32 $0x108;
	_ =	swait.ge @!p0 [sflag:s8], $0x0  }
0x24: {  	s3 =	sadd.s32 $0x88, s3;
	s6 =	simm.s32 @!p1 $0x1082;
	[sflag:s4] =	ssyncset.s32 $0xFFFFF086  }
0x25: {  	[simem:s6], [sflag:s4] =	dma.local [hbm:s3], $0xF7A  }
0x26: {  	[smem:$0x3F9F] =	sst s1;
	(tag) =	ssettag s2;
	_ =	strace s9  }
0x27: {  	s1 =	sld [smem:$0x3FAF]  }
0x28: {  	s2 =	sld [smem:$0x3FB0]  }
0x29: {  	s4 =	sld [smem:$0x3FB2]  }
0x2a: {  	p0 =	seq.s32 s5, $0x0;
	s5 =	sld [smem:$0x3FB3]  }
0x2b: {  	s6 =	sld [smem:$0x3FB4]  }
0x2c: {  	s7 =	sld [smem:$0x3FB5]  }
0x2d: {  	s3 =	simm.s32 $0x108;
	s8 =	sld [smem:$0x3FB6]  }
0x2e: {  	s3 =	simm.s32 @!p0 $0x1082;
	s9 =	sld [smem:$0x3FB7]  }
0x2f: {  	lr =	sadd.s32 s0, s3;
	s0 =	sld [smem:$0x3FAE]  }
0x30: {  	s3 =	sld [smem:$0x3FB1]  }
0x31: {  	[smem:$0x3FBA] =	sst s10  }
0x32: {  	s10 =	sld [smem:$0x3FB8];
	_ =	sdelay $0x3  }
0x33: {  	p0 =	seq.s32 s10, $0x1;
	s10 =	sld [smem:$0x3FBA];
	_ =	sdelay $0x3  }
0x34: {  	[smem:$0x3FBA] =	sst s10  }
0x35: {  	s10 =	sld [smem:$0x3FB9];
	_ =	sdelay $0x3  }
0x36: {  	p1 =	seq.s32 s10, $0x1;
	s10 =	sld [smem:$0x3FBA];
	_ =	sdelay $0x3  }
0x37: {  	[smem:$0x3FBA] =	sst s10  }
0x38: {  	s10 =	sld [smem:$0x3FBB]  }
0x39: {  	_ = 	snop;
	(pc) =	sbr.ind lr, $3  }
0x3a: {  	_ = 	snop  }
0x3b: {  	_ = 	snop  }
0x3c: {  	p2 =	seq.s32 s10, $0x1;
	s10 =	sld [smem:$0x3FBA]  }
0x3d: {  	_ =	shalt  }
0x3e: {  	_ =	shalt  }
0x3f: {  	_ =	shalt  }
0x40: {  	_ =	shalt  }
0x41: {  	_ =	shalt  }
0x42: {  	_ =	shalt  }
0x43: {  	_ =	shalt  }
0x44: {  	_ =	shalt  }
0x45: {  	_ =	shalt  }
0x46: {  	_ =	shalt  }
0x47: {  	_ =	shalt  }
0x48: {  	_ =	shalt  }
0x49: {  	_ =	shalt  }
0x4a: {  	_ =	shalt  }
0x4b: {  	_ =	shalt  }
0x4c: {  	_ =	shalt  }
0x4d: {  	_ =	shalt  }
0x4e: {  	_ =	shalt  }
0x4f: {  	_ =	shalt  }
0x50: {  	_ =	shalt  }
0x51: {  	_ =	shalt  }
0x52: {  	_ =	shalt  }
0x53: {  	_ =	shalt  }
0x54: {  	_ =	shalt  }
0x55: {  	_ =	shalt  }
0x56: {  	_ =	shalt  }
0x57: {  	_ =	shalt  }
0x58: {  	_ =	shalt  }
0x59: {  	_ =	shalt  }
0x5a: {  	_ =	shalt  }
0x5b: {  	_ =	shalt  }
0x5c: {  	_ =	shalt  }
0x5d: {  	_ =	shalt  }
0x5e: {  	_ =	shalt  }
0x5f: {  	_ =	shalt  }
0x60: {  	_ =	shalt  }
0x61: {  	_ =	shalt  }
0x62: {  	_ =	shalt  }
0x63: {  	_ =	shalt  }
0x64: {  	_ =	shalt  }
0x65: {  	_ =	shalt  }
0x66: {  	_ =	shalt  }
0x67: {  	_ =	shalt  }
0x68: {  	_ =	shalt  }
0x69: {  	_ =	shalt  }
0x6a: {  	_ =	shalt  }
0x6b: {  	_ =	shalt  }
0x6c: {  	_ =	shalt  }
0x6d: {  	_ =	shalt  }
0x6e: {  	_ =	shalt  }
0x6f: {  	_ =	shalt  }
0x70: {  	_ =	shalt  }
0x71: {  	_ =	shalt  }
0x72: {  	_ =	shalt  }
0x73: {  	_ =	shalt  }
0x74: {  	_ =	shalt  }
0x75: {  	_ =	shalt  }
0x76: {  	_ =	shalt  }
0x77: {  	_ =	shalt  }
0x78: {  	_ =	shalt  }
0x79: {  	_ =	shalt  }
0x7a: {  	_ =	shalt  }
0x7b: {  	_ =	shalt  }
0x7c: {  	_ =	shalt  }
0x7d: {  	_ =	shalt  }
0x7e: {  	_ =	shalt  }
0x7f: {  	_ =	shalt  }
0x80: {  	_ =	shalt  }
0x81: {  	_ =	shalt  }
0x82: {  	_ =	shalt  }
0x83: {  	_ =	shalt  }
0x84: {  	_ =	shalt  }
0x85: {  	_ =	shalt  }
0x86: {  	_ =	shalt  }
0x87: {  	_ =	shalt  }
.Lfunc_end0:
.L_simem_size_0:
called_computation_lowered:
.L_overlay_start_0:
0x88: {  	s2 =	sld [smem:$0x3FD9]  }
0x89: {  	s3 =	sld [smem:$0x3FFE];
	_ =	sdelay $0x1  }
0x8a: {  	s1 =	srdreg.scid  }
0x8b: {  	s0 =	sand.u32 $0x1, s1  }
0x8c: {  	s17 =	sshll.u32 s0, $0xA;
	s2 =	sadd.s32 s3, s2  }
0x8d: {  	s2 =	sadd.s32 s2, s17  }
0x8e: {  	[smem:$0x3FC6] =	sst s2  }
0x8f: {  	_ = 	snop  }
0x90: {  	s2 =	sld [smem:$0x3FD0];
	(tm) =	ssettm $0x1  }
0x91: {  	s18 =	sld [smem:$0x3FFB];
	_ =	sdelay $0x3  }
0x92: {  	_ =	strace s18  }
0x93: {  	s3 =	sld [smem:$0x3FFC];
	_ =	sdelay $0x3  }
0x94: {  	_ =	strace s3  }
0x95: {  	s3 =	sld [smem:$0x3FFD];
	_ =	sdelay $0x3  }
0x96: {  	_ =	strace s3  }
0x97: {  	_ =	strace $0x8FFFFFFF  }
0x98: {  	s19 =	sld [smem:$0x3FDB];
	_ =	sdelay $0x1  }
0x99: {  	s4 =	simm.s32 $_scs_section_size  }
0x9a: {  	s5 =	simm.s32 $_size__tile_overlayer_lowered;
	s6 =	simm.s32 $_tile_overlayer_lowered  }
0x9b: {  	s22 =	simm.s32 $0x1BFF;
	s21 =	sshll.u32 s6, $0x1;
	s3 =	sadd.s32 s4, s19  }
0x9c: {  	s7 =	simm.s32 $0x0;
	s20 =	sshll.u32 s5, $0x1;
	s5 =	sadd.s32 s21, s3  }
0x9d: {  	[timem:s7], [sflag:s22] =	dma.local [hbm:s5], s20  }
0x9e: {  	_ =	swait.ge [sflag:s22], s20  }
0x9f: {  	s4 =	ssub.s32 $0x0, s20;
	[sflag:s22] =	ssyncset.done $0x0  }
0xa0: {  	[sflag:s22] =	ssyncadd.s32 s4;
	_ =	sdelay $0x1  }
0xa1: {  	s23 =	simm.s32 $0x1B8B  }
0xa2: {  	_ =	swait.ge [sflag:s23], $0x1  }
0xa3: {  	[sflag:s23] =	ssyncset.done $0x0  }
0xa4: {  	s25 =	simm.s32 $0x1B8E;
	s24 =	sld [smem:$0x3FFE];
	[sflag:s23] =	ssyncadd.s32 $0xFFFFFFFF  }
0xa5: {  	s26 =	simm.s32 $execute0_lowered;
	[smem:$0x3FD2] =	sst s25  }
0xa6: {  	s5 =	sshll.u32 s26, $0x1;
	_ =	strace $0x80000046;
	[dreg:$0x1] =	wrdreg $0xFFFFFFFF  }
0xa7: {  	s28 =	simm.s32 $_size_execute0_lowered;
	s3 =	sadd.s32 s3, s5;
	[dreg:$0x0] =	wrdreg $0x0  }
0xa8: {  	s5 =	sshll.u32 s28, $0x1;
	[dreg:$0x2] =	wrdreg s3  }
0xa9: {  	[dreg:$0x3] =	wrdreg s5  }
0xaa: {  	[dreg:$0x4] =	wrdreg $0xC0  }
0xab: {  	_ =	task [dreg:s7], $0x5FFFF  }
0xac: {  	[dreg:$0x1] =	wrdreg $0xFFFFFFFF  }
0xad: {  	[dreg:$0x0] =	wrdreg $0x60  }
0xae: {  	[dreg:$0x2] =	wrdreg s24  }
0xaf: {  	[dreg:$0x3] =	wrdreg s2  }
0xb0: {  	[dreg:$0x4] =	wrdreg $0x9  }
0xb1: {  	_ =	task.clear_ibuf [dreg:s7], $0x5FFFF;
	_ =	strace $0x90000046  }
0xb2: {  	s29 =	simm.s32 $0x9;
	_ =	strace $0x80000048  }
0xb3: {  	_ =	swait.ge [sflag:s29], $0x1  }
0xb4: {  	[sflag:s29] =	ssyncadd.s32 $0xFFFFFFFF  }
0xb5: {  	_ =	strace $0x90000048  }
0xb6: {  	_ =	sfence  }
0xb7: {  	s30 =	sld [smem:$0x0];
	_ =	sdelay $0x2  }
0xb8: {  	s31 =	sshll.u32 s1, $0xD;
	s1 =	sshrl.u32 s1, $0x2  }
0xb9: {  	s3 =	sand.u32 $0x4000, s31;
	s1 =	sadd.s32 s1, s30  }
0xba: {  	s0 =	sor.u32 s3, s0;
	s1 =	sshll.u32 s1, $0x11  }
0xbb: {  	s0 =	sor.u32 s1, s0  }
0xbc: {  	s0 =	sadd.s32 $0x8F2B, s0  }
0xbd: {  	[sflag:s0] =	ssyncadd.remote.s32 $0x1  }
0xbe: {  	_ =	sfence.sel $0xFFFF  }
0xbf: {  	[dreg:$0x0] =	wrdreg $0xFFFFFFFF;
	(pc) =	sbr.abs _section_cstart, $3  }
0xc0: {  	[dreg:$0x1] =	wrdreg $0xFFFFFFFF  }
0xc1: {  	_ =	task.clear_ibuf [dreg:s7], $0x2FFFF;
	_ =	strace $0x9FFFFFFF  }
0xc2: {  	(tm) =	ssettm $0x7FFFFFFF  }
0xc3: {  	_ =	shalt  }
tec
execute0_lowered:
.L_overlay_start_1:
0x0: {  	(tag) =	ssettag $0x1  }
0x1: {  	s3 =	rddreg [dreg:$0x0]  }
0x2: {  	s5 =	rddreg [dreg:$0x1];
	s1 =	simm.s32 $0x0  }
0x3: {  	[smem:$0x7FF] =	sst s1  }
0x4: {  	s0 =	rddreg [dreg:$0x2];
	v0 =	vimm.f32 $2.000000000e+03;
	_ =	strace $0x80000047  }
0x5: {  	(erf) = vrcp.f32 v0;
	_ =	sdelay $0x2  }
0x6: {  	s4 =	srdreg.scid;
	s2 =	stileid.u32  }
0x7: {  	s4 =	sand.u32 $0x1, s4;
	s6 =	sshll.u32 s2, $0x1  }
0x8: {  	s6 =	sor.u32 s4, s6  }
0x9: {  	s4 =	ssub.s32 $0x2, s4;
	s7 =	smul.u32 $0x320, s6  }
0xa: {  	s9 =	simm.s32 $0x2100;
	s8 =	sshrl.u32 s4, $0x1;
	s6 =	smul.u32 $0xA0, s6  }
0xb: {  	s10 =	simm.s32 $0x0;
	s8 =	ssub.s32 s4, s8;
	s7 =	sadd.s32 s7, s3  }
0xc: {  	v59 =	vlaneseq.u32;
	s3 =	sadd.s32 $0x6C00, s3;
	s5 =	sadd.s32 s5, s6;
	s6 =	smax.u32 s8, $0x1;
	v0 =	vpop (erf)  }
0xd: {  	v63 =	vimm.s32 $0x0;
	v1 =	vimm.s32 $0x200;
	s8 =	simm.s32 $0x1900;
	s4 =	sadd.s32 $0x800, s7;
	s7 =	simm.s32 $0x1;
	[tilespmem:$0x1FFF0] =	vst v0;
	v0 =	vimm.s32 $0x400  }
.LBB2_1:
0xe: {  	s11 =	simm.s32 $0x30  }
0xf: {  	v5 =	vor.u32 s11, v59  }
0x10: {  	v6 =	vmul.u32 $0x199A, v5;
	_ =	sdelay $0x1  }
0x11: {  	[tilespmem:s1], [sflag:$0x1] =	stream.linear.gather [hbm4b:s4+s1], $0x1900, $0x38;
	v6 =	vshrl.u32 v6, $0x10;
	[tilespmem:$0x2600] =	vst v63  }
0x12: {  	_ =	swait.ge [sflag:s7], $0x1900;
	v6 =	vmul.u32 $0x28, v6  }
0x13: {  	[sflag:s7] =	ssyncset.done $0x0  }
0x14: {  	[sflag:s7] =	ssyncadd.s32 $0xFFFFE700;
	v5 =	vadd.s32 v5, v6  }
0x15: {  	[tilespmem:s8], [sflag:$0x1] =	stream.linear.gather [hbm4b:s3+s1], $0x800, $0x38;
	v6 =	vadd.s32 $0xA, v5;
	[tilespmem:$0x2600] =	vst v63  }
0x16: {  	_ =	swait.ge [sflag:s7], $0x800  }
0x17: {  	[sflag:s7] =	ssyncset.done $0x0;
	v7 =	vadd.s32 $0x14, v5  }
0x18: {  	[sflag:s7] =	ssyncadd.s32 $0xFFFFF800  }
0x19: {  	v9 =	vadd.s32 $0x1E, v5;
	v8 =	vld.idx.msk [tilespmem:v5+s1+$0x0], $0xffff  }
0x1a: {  	v6 =	vld.idx.msk [tilespmem:v6+s1+$0x0], $0xffff  }
0x1b: {  	v5 =	vadd.s32 $0x28, v5  }
0x1c: {  	v7 =	vld.idx.msk [tilespmem:v7+s1+$0x0], $0xffff;
	_ =	sdelay $0x1  }
0x1d: {  	v9 =	vld.idx.msk [tilespmem:v9+s1+$0x0], $0xffff  }
0x1e: {  	v6 =	vadd.f32 v6, v8  }
0x1f: {  	v5 =	vld.idx.msk [tilespmem:v5+s1+$0x0], $0xffff  }
0x20: {  	v6 =	vadd.f32 v7, v6  }
0x21: {  	v7 =	vld.idx.msk [tilespmem:v0+s8+$0x0], $0xffff  }
0x22: {  	v6 =	vadd.f32 v9, v6;
	_ =	sdelay $0x1  }
0x23: {  	v5 =	vadd.f32 v5, v6;
	_ =	sdelay $0x1  }
0x24: {  	vm0 =	vlt.f32 v7, v5  }
0x25: {  	v6 =	vsel vm0, $0x600, v1  }
0x26: {  	s18 =	simm.s32 $0x10;
	v11 =	vor.u32 s1, v59  }
0x27: {  	v13 =	vmul.u32 $0x199A, v11;
	v8 =	vor.u32 s18, v59  }
0x28: {  	v10 =	vmul.u32 $0x199A, v8  }
0x29: {  	v13 =	vshrl.u32 v13, $0x10  }
0x2a: {  	s19 =	simm.s32 $0x20;
	v13 =	vmul.u32 $0x28, v13;
	v10 =	vshrl.u32 v10, $0x10;
	v14 =	vld.idx.msk [tilespmem:v6+s8+$0x0], $0xffff  }
0x2b: {  	v9 =	vor.u32 s19, v59;
	v10 =	vmul.u32 $0x28, v10  }
0x2c: {  	v11 =	vadd.s32 v11, v13;
	v12 =	vmul.u32 $0x199A, v9  }
0x2d: {  	v13 =	vadd.s32 $0xA, v11;
	v8 =	vadd.s32 v8, v10  }
0x2e: {  	v12 =	vshrl.u32 v12, $0x10;
	v10 =	vadd.s32 $0xA, v8;
	v17 =	vadd.s32 $0x14, v8  }
0x2f: {  	v12 =	vmul.u32 $0x28, v12;
	v15 =	vsel vm0, $0x800, v0;
	vm1 =	vlt.f32 v14, v5  }
0x30: {  	v16 =	vor.u32 $0x1, v6;
	v14 =	vsel vm0, $0x401, v63;
	v6 =	vsel vm1, v15, v6  }
0x31: {  	v9 =	vadd.s32 v9, v12;
	v14 =	vsel vm1, v16, v14;
	v16 =	vadd.s32 $0xFFFFFFFF, v6  }
0x32: {  	v22 =	vld.idx.msk [tilespmem:v11+s1+$0x0], $0xffff;
	v12 =	vadd.s32 $0xA, v9;
	v18 =	vxor.u32 v16, v14  }
0x33: {  	v13 =	vld.idx.msk [tilespmem:v13+s1+$0x0], $0xffff;
	v16 =	vor.u32 v16, v14;
	v18 =	vshrl.u32 v18, $0x1  }
0x34: {  	v10 =	vld.idx.msk [tilespmem:v10+s1+$0x0], $0xffff;
	v16 =	vsub.s32 v16, v18  }
0x35: {  	v21 =	vadd.s32 $0x1E, v8;
	v17 =	vld.idx.msk [tilespmem:v17+s1+$0x0], $0xffff  }
0x36: {  	v19 =	vadd.s32 $0x14, v9;
	v20 =	vld.idx.msk [tilespmem:v9+s1+$0x0], $0xffff  }
0x37: {  	v23 =	vadd.s32 $0x1E, v9;
	v12 =	vld.idx.msk [tilespmem:v12+s1+$0x0], $0xffff  }
0x38: {  	v15 =	vld.idx.msk [tilespmem:v8+s1+$0x0], $0xffff;
	v18 =	vadd.s32 $0x14, v11  }
0x39: {  	v8 =	vadd.s32 $0x28, v8;
	v25 =	vld.idx.msk [tilespmem:v16+s8+$0x0], $0xffff  }
0x3a: {  	v24 =	vadd.s32 $0x1E, v11;
	v21 =	vld.idx.msk [tilespmem:v21+s1+$0x0], $0xffff  }
0x3b: {  	v9 =	vadd.s32 $0x28, v9;
	v19 =	vld.idx.msk [tilespmem:v19+s1+$0x0], $0xffff  }
0x3c: {  	v23 =	vld.idx.msk [tilespmem:v23+s1+$0x0], $0xffff;
	v11 =	vadd.s32 $0x28, v11  }
0x3d: {  	v10 =	vadd.f32 v10, v15;
	v18 =	vld.idx.msk [tilespmem:v18+s1+$0x0], $0xffff  }
0x3e: {  	v12 =	vadd.f32 v12, v20;
	v8 =	vld.idx.msk [tilespmem:v8+s1+$0x0], $0xffff;
	v20 =	vor.u32 $0x1, v16;
	vm0 =	vlt.f32 v25, v5  }
0x3f: {  	v15 =	vld.idx.msk [tilespmem:v24+s1+$0x0], $0xffff;
	v10 =	vadd.f32 v17, v10;
	v14 =	vsel vm0, v20, v14;
	v6 =	vsel vm0, v6, v16  }
0x40: {  	v13 =	vadd.f32 v13, v22;
	v9 =	vld.idx.msk [tilespmem:v9+s1+$0x0], $0xffff;
	v12 =	vadd.f32 v19, v12;
	v16 =	vxor.u32 v6, v14  }
0x41: {  	v11 =	vld.idx.msk [tilespmem:v11+s1+$0x0], $0xffff;
	v10 =	vadd.f32 v21, v10;
	v17 =	vand.u32 v6, v14;
	v16 =	vshrl.u32 v16, $0x1  }
0x42: {  	v13 =	vadd.f32 v18, v13;
	v16 =	vadd.s32 v16, v17  }
0x43: {  	v12 =	vadd.f32 v23, v12;
	v10 =	vadd.f32 v8, v10  }
0x44: {  	v13 =	vadd.f32 v15, v13  }
0x45: {  	v8 =	vadd.f32 v9, v12;
	vm0 =	vlt.f32 v7, v10  }
0x46: {  	v9 =	vadd.f32 v11, v13;
	v11 =	vsel vm0, $0x600, v1  }
0x47: {  	vm1 =	vlt.f32 v7, v8;
	v12 =	vld.idx.msk [tilespmem:v16+s8+$0x0], $0xffff  }
0x48: {  	vm2 =	vlt.f32 v7, v9;
	v7 =	vsel vm1, $0x600, v1  }
0x49: {  	v13 =	vsel vm2, $0x600, v1;
	_ =	sdelay $0x1  }
0x4a: {  	v15 =	vld.idx.msk [tilespmem:v11+s8+$0x0], $0xffff  }
0x4b: {  	vm3 =	vlt.f32 v12, v5;
	v12 =	vadd.s32 $0x1, v16  }
0x4c: {  	v25 =	vsel vm1, $0x401, v63;
	v17 =	vld.idx.msk [tilespmem:v7+s8+$0x0], $0xffff;
	v12 =	vsel vm3, v12, v14;
	v6 =	vsel vm3, v6, v16  }
0x4d: {  	v18 =	vsel vm0, $0x800, v0;
	v24 =	vsel vm0, $0x401, v63;
	v19 =	vld.idx.msk [tilespmem:v13+s8+$0x0], $0xffff;
	v20 =	vadd.s32 v6, v12  }
0x4e: {  	v22 =	vor.u32 $0x1, v11;
	v23 =	vor.u32 $0x1, v7;
	v20 =	vshrl.u32 v20, $0x1  }
0x4f: {  	v21 =	vor.u32 $0x1, v13;
	vm0 =	vlt.f32 v15, v10;
	v15 =	vsel vm2, $0x401, v63  }
0x50: {  	v14 =	vsel vm2, $0x800, v0;
	v16 =	vsel vm1, $0x800, v0;
	v11 =	vsel vm0, v18, v11  }
0x51: {  	v22 =	vsel vm0, v22, v24;
	vm0 =	vlt.f32 v17, v8;
	v17 =	vadd.s32 $0xFFFFFFFF, v11  }
0x52: {  	vm1 =	vlt.f32 v19, v9;
	v7 =	vsel vm0, v16, v7;
	v16 =	vsel vm0, v23, v25  }
0x53: {  	v13 =	vsel vm1, v14, v13;
	v14 =	vadd.s32 $0xFFFFFFFF, v7;
	v15 =	vsel vm1, v21, v15;
	v18 =	vld.idx.msk [tilespmem:v20+s8+$0x0], $0xffff  }
0x54: {  	v21 =	vxor.u32 v17, v22;
	v17 =	vor.u32 v17, v22;
	v19 =	vadd.s32 $0xFFFFFFFF, v13  }
0x55: {  	v23 =	vxor.u32 v14, v16;
	v21 =	vshrl.u32 v21, $0x1;
	v24 =	vxor.u32 v19, v15  }
0x56: {  	v17 =	vsub.s32 v17, v21;
	v19 =	vor.u32 v19, v15;
	v21 =	vshrl.u32 v24, $0x1  }
0x57: {  	v14 =	vor.u32 v14, v16;
	v23 =	vshrl.u32 v23, $0x1;
	v19 =	vsub.s32 v19, v21  }
0x58: {  	v14 =	vsub.s32 v14, v23;
	vm0 =	vlt.f32 v18, v5;
	v18 =	vadd.s32 $0x1, v20  }
0x59: {  	v12 =	vsel vm0, v18, v12;
	v6 =	vsel vm0, v6, v20  }
0x5a: {  	v18 =	vadd.s32 v6, v12  }
0x5b: {  	v20 =	vld.idx.msk [tilespmem:v17+s8+$0x0], $0xffff;
	v18 =	vshrl.u32 v18, $0x1  }
0x5c: {  	v23 =	vld.idx.msk [tilespmem:v19+s8+$0x0], $0xffff  }
0x5d: {  	v21 =	vld.idx.msk [tilespmem:v14+s8+$0x0], $0xffff;
	_ =	sdelay $0x2  }
0x5e: {  	v24 =	vor.u32 $0x1, v17;
	vm0 =	vlt.f32 v20, v10;
	v20 =	vld.idx.msk [tilespmem:v18+s8+$0x0], $0xffff  }
0x5f: {  	v26 =	vor.u32 $0x1, v14;
	v25 =	vor.u32 $0x1, v19;
	vm1 =	vlt.f32 v23, v9  }
0x60: {  	v22 =	vsel vm0, v24, v22;
	v11 =	vsel vm0, v11, v17;
	vm0 =	vlt.f32 v21, v8  }
0x61: {  	v13 =	vsel vm1, v13, v19;
	v7 =	vsel vm0, v7, v14;
	v14 =	vxor.u32 v11, v22  }
0x62: {  	v19 =	vadd.s32 $0x1, v18;
	v17 =	vand.u32 v11, v22;
	v14 =	vshrl.u32 v14, $0x1  }
0x63: {  	v16 =	vsel vm0, v26, v16;
	v14 =	vadd.s32 v14, v17;
	vm0 =	vlt.f32 v20, v5  }
0x64: {  	v12 =	vsel vm0, v19, v12;
	v6 =	vsel vm0, v6, v18  }
0x65: {  	v15 =	vsel vm1, v25, v15;
	v18 =	vxor.u32 v7, v16;
	v19 =	vadd.s32 v6, v12  }
0x66: {  	v20 =	vand.u32 v7, v16;
	v18 =	vshrl.u32 v18, $0x1;
	v19 =	vshrl.u32 v19, $0x1  }
0x67: {  	v17 =	vxor.u32 v13, v15;
	v18 =	vadd.s32 v18, v20  }
0x68: {  	s20 =	simm.s32 $0x70;
	v21 =	vand.u32 v13, v15;
	v17 =	vshrl.u32 v17, $0x1;
	v20 =	vld.idx.msk [tilespmem:v14+s8+$0x0], $0xffff  }
0x69: {  	v17 =	vadd.s32 v17, v21;
	v21 =	vor.u32 s20, v59  }
0x6a: {  	v23 =	vmul.u32 $0x199A, v21  }
0x6b: {  	v24 =	vld.idx.msk [tilespmem:v19+s8+$0x0], $0xffff  }
0x6c: {  	v23 =	vshrl.u32 v23, $0x10;
	v25 =	vld.idx.msk [tilespmem:v18+s8+$0x0], $0xffff  }
0x6d: {  	v26 =	vadd.s32 $0x1, v14;
	v23 =	vmul.u32 $0x28, v23;
	vm0 =	vlt.f32 v20, v10  }
0x6e: {  	v29 =	vadd.s32 $0x1, v17;
	v27 =	vld.idx.msk [tilespmem:v17+s8+$0x0], $0xffff;
	v28 =	vadd.s32 $0x1, v18;
	v20 =	vsel vm0, v26, v22  }
0x6f: {  	s22 =	simm.s32 $0x50;
	v14 =	vsel vm0, v11, v14;
	v11 =	vadd.s32 v21, v23;
	v21 =	vadd.s32 $0x1, v19  }
0x70: {  	v26 =	vor.u32 s22, v59;
	v22 =	vadd.s32 $0xA, v11;
	v23 =	vadd.s32 v14, v20  }
0x71: {  	s21 =	simm.s32 $0x40;
	v23 =	vshrl.u32 v23, $0x1;
	vm0 =	vlt.f32 v24, v5;
	vm1 =	vlt.f32 v25, v8  }
0x72: {  	s12 =	simm.s32 $0x60;
	v25 =	vor.u32 s21, v59;
	v12 =	vsel vm0, v21, v12;
	v6 =	vsel vm0, v6, v19  }
0x73: {  	vm0 =	vlt.f32 v27, v9;
	v21 =	vadd.s32 $0x14, v11;
	v27 =	vor.u32 s12, v59  }
0x74: {  	v13 =	vsel vm0, v13, v17;
	v17 =	vadd.s32 $0x1E, v11;
	v30 =	vmul.u32 $0x199A, v27  }
0x75: {  	v16 =	vsel vm1, v28, v16;
	v18 =	vsel vm1, v7, v18;
	v19 =	vadd.s32 v6, v12;
	v22 =	vld.idx.msk [tilespmem:v22+s1+$0x0], $0xffff  }
0x76: {  	v7 =	vshrl.u32 v19, $0x1;
	v19 =	vsel vm0, v29, v15;
	v15 =	vld.idx.msk [tilespmem:v11+s1+$0x0], $0xffff;
	v30 =	vshrl.u32 v30, $0x10  }
0x77: {  	v11 =	vadd.s32 $0x28, v11;
	v29 =	vmul.u32 $0x199A, v26;
	v30 =	vmul.u32 $0x28, v30  }
0x78: {  	v28 =	vmul.u32 $0x199A, v25;
	v24 =	vadd.s32 v18, v16;
	v21 =	vld.idx.msk [tilespmem:v21+s1+$0x0], $0xffff  }
0x79: {  	v24 =	vshrl.u32 v24, $0x1;
	v29 =	vshrl.u32 v29, $0x10;
	v17 =	vld.idx.msk [tilespmem:v17+s1+$0x0], $0xffff;
	v27 =	vadd.s32 v27, v30  }
0x7a: {  	v28 =	vshrl.u32 v28, $0x10;
	v31 =	vadd.s32 v13, v19;
	v29 =	vmul.u32 $0x28, v29;
	v30 =	vld.idx.msk [tilespmem:v23+s8+$0x0], $0xffff  }
0x7b: {  	v28 =	vmul.u32 $0x28, v28;
	v32 =	vld.idx.msk [tilespmem:v7+s8+$0x0], $0xffff;
	v15 =	vadd.f32 v22, v15;
	v22 =	vshrl.u32 v31, $0x1  }
0x7c: {  	v11 =	vld.idx.msk [tilespmem:v11+s1+$0x0], $0xffff;
	v26 =	vadd.s32 v26, v29  }
0x7d: {  	v29 =	vld.idx.msk [tilespmem:v0+s8+$0x0], $0xffff;
	v15 =	vadd.f32 v21, v15;
	v21 =	vadd.s32 v25, v28;
	v25 =	vadd.s32 $0xA, v26  }
0x7e: {  	v28 =	vadd.s32 $0xA, v27;
	v39 =	vld.idx.msk [tilespmem:v27+s1+$0x0], $0xffff  }
0x7f: {  	v31 =	vadd.s32 $0x1, v7;
	v56 =	vadd.s32 $0xA, v21;
	v15 =	vadd.f32 v17, v15;
	v17 =	vld.idx.msk [tilespmem:v24+s8+$0x0], $0xffff  }
0x80: {  	vm1 =	vlt.f32 v30, v10;
	v30 =	vadd.s32 $0x14, v27;
	vm0 =	vlt.f32 v32, v5;
	v33 =	vld.idx.msk [tilespmem:v22+s8+$0x0], $0xffff  }
0x81: {  	v34 =	vld.idx.msk [tilespmem:v26+s1+$0x0], $0xffff;
	v12 =	vsel vm0, v31, v12;
	v31 =	vsel vm0, v6, v7;
	v11 =	vadd.f32 v11, v15  }
0x82: {  	v37 =	vadd.s32 $0x14, v26;
	v6 =	vadd.s32 v31, v12;
	v25 =	vld.idx.msk [tilespmem:v25+s1+$0x0], $0xffff  }
0x83: {  	v35 =	vshrl.u32 v6, $0x1;
	v28 =	vld.idx.msk [tilespmem:v28+s1+$0x0], $0xffff;
	vm0 =	vlt.f32 v29, v11  }
0x84: {  	v38 =	vadd.s32 $0x1, v22;
	v6 =	vadd.s32 $0x1, v23;
	v57 =	vld.idx.msk [tilespmem:v21+s1+$0x0], $0xffff;
	v36 =	vsel vm0, $0x600, v1  }
0x85: {  	v32 =	vld.idx.msk [tilespmem:v56+s1+$0x0], $0xffff;
	v7 =	vsel vm1, v6, v20;
	v6 =	vsel vm1, v14, v23;
	v14 =	vadd.s32 $0x14, v21  }
0x86: {  	v15 =	vadd.s32 $0x1, v24;
	v30 =	vld.idx.msk [tilespmem:v30+s1+$0x0], $0xffff;
	vm1 =	vlt.f32 v17, v8;
	vm2 =	vlt.f32 v33, v9  }
0x87: {  	v23 =	vadd.s32 $0x1E, v26;
	v17 =	vsel vm1, v15, v16;
	v16 =	vsel vm2, v13, v22;
	v22 =	vld.idx.msk [tilespmem:v37+s1+$0x0], $0xffff  }
0x88: {  	v13 =	vadd.s32 $0x1E, v21;
	v20 =	vld.idx.msk [tilespmem:v35+s8+$0x0], $0xffff  }
0x89: {  	v26 =	vadd.s32 $0x28, v26;
	v15 =	vsel vm1, v18, v24;
	v24 =	vld.idx.msk [tilespmem:v36+s8+$0x0], $0xffff  }
0x8a: {  	v58 =	vsel vm0, $0x800, v0;
	v21 =	vadd.s32 $0x28, v21;
	v28 =	vadd.f32 v28, v39;
	v14 =	vld.idx.msk [tilespmem:v14+s1+$0x0], $0xffff  }
0x8b: {  	v18 =	vadd.s32 $0x1E, v27;
	v27 =	vadd.s32 $0x28, v27;
	v25 =	vadd.f32 v25, v34  }
0x8c: {  	v60 =	vor.u32 $0x1, v36;
	v23 =	vld.idx.msk [tilespmem:v23+s1+$0x0], $0xffff;
	v32 =	vadd.f32 v32, v57;
	v28 =	vadd.f32 v30, v28  }
0x8d: {  	v13 =	vld.idx.msk [tilespmem:v13+s1+$0x0], $0xffff;
	v22 =	vadd.f32 v22, v25;
	vm1 =	vlt.f32 v20, v5;
	v20 =	vadd.s32 $0x1, v35  }
0x8e: {  	v26 =	vld.idx.msk [tilespmem:v26+s1+$0x0], $0xffff;
	v20 =	vsel vm1, v20, v12;
	v31 =	vsel vm1, v31, v35;
	vm1 =	vlt.f32 v24, v11  }
0x8f: {  	v21 =	vld.idx.msk [tilespmem:v21+s1+$0x0], $0xffff;
	v14 =	vadd.f32 v14, v32;
	v24 =	vsel vm0, $0x401, v63;
	v34 =	vsel vm1, v58, v36  }
0x90: {  	v12 =	vld.idx.msk [tilespmem:v18+s1+$0x0], $0xffff;
	v18 =	vadd.s32 v31, v20;
	v24 =	vsel vm1, v60, v24;
	v61 =	vadd.s32 $0xFFFFFFFF, v34  }
0x91: {  	v25 =	vld.idx.msk [tilespmem:v27+s1+$0x0], $0xffff;
	v22 =	vadd.f32 v23, v22;
	v18 =	vshrl.u32 v18, $0x1;
	v27 =	vxor.u32 v61, v24  }
0x92: {  	v14 =	vadd.f32 v13, v14;
	v30 =	vor.u32 v61, v24;
	v27 =	vshrl.u32 v27, $0x1  }
0x93: {  	v19 =	vsel vm2, v38, v19;
	v13 =	vadd.f32 v26, v22;
	v23 =	vsub.s32 v30, v27  }
0x94: {  	v26 =	vadd.s32 v16, v19;
	v14 =	vadd.f32 v21, v14;
	v27 =	vadd.s32 v6, v7  }
0x95: {  	v12 =	vadd.f32 v12, v28;
	v30 =	vadd.s32 v15, v17;
	v27 =	vshrl.u32 v27, $0x1  }
0x96: {  	vm0 =	vlt.f32 v29, v13;
	vm2 =	vlt.f32 v29, v14;
	v22 =	vld.idx.msk [tilespmem:v18+s8+$0x0], $0xffff;
	v28 =	vshrl.u32 v30, $0x1  }
0x97: {  	v12 =	vadd.f32 v25, v12;
	v25 =	vshrl.u32 v26, $0x1;
	v26 =	vsel vm0, $0x600, v1  }
0x98: {  	v2 =	vsel vm2, $0x600, v1;
	v30 =	vld.idx.msk [tilespmem:v23+s8+$0x0], $0xffff  }
0x99: {  	v47 =	vsel vm0, $0x401, v63;
	v50 =	vsel vm2, $0x800, v0;
	v46 =	vsel vm2, $0x401, v63  }
0x9a: {  	v21 =	vadd.s32 $0x1, v25;
	v32 =	vadd.s32 $0x1, v27;
	v48 =	vadd.s32 $0x1, v28;
	v62 =	vld.idx.msk [tilespmem:v27+s8+$0x0], $0xffff  }
0x9b: {  	vm1 =	vlt.f32 v29, v12;
	vm3 =	vlt.f32 v22, v5;
	v22 =	vadd.s32 $0x1, v18;
	v49 =	vld.idx.msk [tilespmem:v28+s8+$0x0], $0xffff  }
0x9c: {  	v52 =	vor.u32 $0x1, v26;
	v29 =	vsel vm1, $0x600, v1;
	v51 =	vld.idx.msk [tilespmem:v26+s8+$0x0], $0xffff;
	v20 =	vsel vm3, v22, v20  }
0x9d: {  	v42 =	vld.idx.msk [tilespmem:v2+s8+$0x0], $0xffff;
	v18 =	vsel vm3, v31, v18;
	vm3 =	vlt.f32 v30, v11;
	v30 =	vor.u32 $0x1, v23  }
0x9e: {  	v40 =	vsel vm1, $0x800, v0;
	v22 =	vld.idx.msk [tilespmem:v25+s8+$0x0], $0xffff;
	v24 =	vsel vm3, v30, v24;
	v23 =	vsel vm3, v34, v23  }
0x9f: {  	v53 =	vsel vm1, $0x401, v63;
	v44 =	vor.u32 $0x1, v29;
	v43 =	vxor.u32 v23, v24  }
0xa0: {  	v18 =	vadd.s32 v18, v20;
	v45 =	vand.u32 v23, v24;
	v43 =	vshrl.u32 v43, $0x1  }
0xa1: {  	v31 =	vsel vm0, $0x800, v0;
	v18 =	vshrl.u32 v18, $0x1;
	v41 =	vld.idx.msk [tilespmem:v29+s8+$0x0], $0xffff;
	v43 =	vadd.s32 v43, v45  }
0xa2: {  	v30 =	vor.u32 $0x1, v2;
	vm2 =	vlt.f32 v51, v13;
	vm3 =	vlt.f32 v62, v10  }
0xa3: {  	vm1 =	vlt.f32 v49, v8;
	vm4 =	vlt.f32 v42, v14;
	vm0 =	vlt.f32 v22, v9  }
0xa4: {  	v22 =	vsel vm2, v52, v47;
	v26 =	vsel vm2, v31, v26;
	v54 =	vsel vm4, v50, v2  }
0xa5: {  	v30 =	vsel vm4, v30, v46;
	v7 =	vsel vm3, v32, v7;
	v31 =	vadd.s32 $0xFFFFFFFF, v26  }
0xa6: {  	v38 =	vadd.s32 $0xFFFFFFFF, v54;
	vm2 =	vlt.f32 v41, v12;
	v58 =	vxor.u32 v31, v22;
	v57 =	vld.idx.msk [tilespmem:v43+s8+$0x0], $0xffff  }
0xa7: {  	v61 =	vxor.u32 v38, v30;
	v31 =	vor.u32 v31, v22;
	v38 =	vor.u32 v38, v30  }
0xa8: {  	v29 =	vsel vm2, v40, v29;
	v56 =	vsel vm2, v44, v53;
	v39 =	vshrl.u32 v58, $0x1  }
0xa9: {  	v62 =	vshrl.u32 v61, $0x1;
	v55 =	vadd.s32 $0xFFFFFFFF, v29;
	v31 =	vsub.s32 v31, v39  }
0xaa: {  	v2 =	vld.idx.msk [tilespmem:v18+s8+$0x0], $0xffff;
	v44 =	vadd.s32 $0x1, v43;
	v38 =	vsub.s32 v38, v62;
	v60 =	vxor.u32 v55, v56  }
0xab: {  	v34 =	vor.u32 v55, v56;
	v40 =	vshrl.u32 v60, $0x1;
	vm2 =	vlt.f32 v57, v11  }
0xac: {  	v34 =	vsub.s32 v34, v40;
	v24 =	vsel vm2, v44, v24;
	v23 =	vsel vm2, v23, v43  }
0xad: {  	v6 =	vsel vm3, v6, v27;
	v17 =	vsel vm1, v48, v17;
	v27 =	vadd.s32 v23, v24  }
0xae: {  	v19 =	vsel vm0, v21, v19;
	v21 =	vsel vm1, v15, v28;
	v28 =	vld.idx.msk [tilespmem:v31+s8+$0x0], $0xffff;
	v27 =	vshrl.u32 v27, $0x1  }
0xaf: {  	v16 =	vsel vm0, v16, v25;
	vm0 =	vlt.f32 v2, v5;
	v5 =	vadd.s32 $0x1, v18;
	v18 =	vld.idx.msk [tilespmem:v38+s8+$0x0], $0xffff  }
0xb0: {  	v25 =	vadd.s32 v6, v7;
	v45 =	vadd.s32 v21, v17;
	v47 =	vadd.s32 v16, v19  }
0xb1: {  	v25 =	vshrl.u32 v25, $0x1;
	v37 =	vshrl.u32 v47, $0x1;
	v32 =	vshrl.u32 v45, $0x1;
	v46 =	vld.idx.msk [tilespmem:v34+s8+$0x0], $0xffff  }
0xb2: {  	v49 =	vadd.s32 $0x1, v25;
	v50 =	vadd.s32 $0x1, v37;
	v51 =	vadd.s32 $0x1, v32  }
0xb3: {  	v15 =	vsel vm0, v5, v20;
	v5 =	vor.u32 $0x1, v31;
	vm0 =	vlt.f32 v28, v13;
	v28 =	vld.idx.msk [tilespmem:v27+s8+$0x0], $0xffff  }
0xb4: {  	v20 =	vor.u32 $0x1, v38;
	v48 =	vor.u32 $0x1, v34;
	vm1 =	vlt.f32 v18, v14  }
0xb5: {  	v5 =	vsel vm0, v5, v22;
	v22 =	vsel vm0, v26, v31;
	v20 =	vsel vm1, v20, v30  }
0xb6: {  	v30 =	vsel vm1, v54, v38;
	v53 =	vand.u32 v22, v5;
	vm0 =	vlt.f32 v46, v12  }
0xb7: {  	v18 =	vsel vm0, v48, v56;
	v26 =	vsel vm0, v29, v34;
	v29 =	vxor.u32 v22, v5  }
0xb8: {  	v52 =	vld.idx.msk [tilespmem:v32+s8+$0x0], $0xffff;
	v29 =	vshrl.u32 v29, $0x1;
	vm0 =	vlt.f32 v28, v11;
	v28 =	vadd.s32 $0x1, v27  }
0xb9: {  	v31 =	vld.idx.msk [tilespmem:v25+s8+$0x0], $0xffff;
	v56 =	vand.u32 v26, v18;
	v24 =	vsel vm0, v28, v24;
	v23 =	vsel vm0, v23, v27  }
0xba: {  	v29 =	vadd.s32 v29, v53;
	v28 =	vxor.u32 v26, v18;
	v55 =	vadd.s32 v23, v24  }
0xbb: {  	v54 =	vld.idx.msk [tilespmem:v37+s8+$0x0], $0xffff;
	v27 =	vxor.u32 v30, v20;
	v28 =	vshrl.u32 v28, $0x1;
	v34 =	vshrl.u32 v55, $0x1  }
0xbc: {  	v38 =	vand.u32 v30, v20;
	v27 =	vshrl.u32 v27, $0x1;
	v28 =	vadd.s32 v28, v56  }
0xbd: {  	v15 =	vcvt.s32.f32 v15;
	vm1 =	vlt.f32 v52, v8;
	v27 =	vadd.s32 v27, v38  }
0xbe: {  	v17 =	vsel vm1, v51, v17;
	v21 =	vsel vm1, v21, v32;
	vm0 =	vlt.f32 v31, v10  }
0xbf: {  	v62 =	vadd.s32 v21, v17;
	v31 =	vld.idx.msk [tilespmem:v29+s8+$0x0], $0xffff;
	v7 =	vsel vm0, v49, v7;
	v6 =	vsel vm0, v6, v25  }
0xc0: {  	v35 =	vshrl.u32 v62, $0x1;
	vm2 =	vlt.f32 v54, v9;
	v25 =	vadd.s32 v6, v7;
	v60 =	vld.idx.msk [tilespmem:v34+s8+$0x0], $0xffff  }
0xc1: {  	s26 =	simm.s32 $0xA0;
	v19 =	vsel vm2, v50, v19;
	v16 =	vsel vm2, v16, v37;
	v25 =	vshrl.u32 v25, $0x1;
	v61 =	vld.idx.msk [tilespmem:v28+s8+$0x0], $0xffff  }
0xc2: {  	v62 =	vor.u32 s26, v59;
	v48 =	vadd.s32 $0x1, v35;
	v46 =	vadd.s32 v16, v19;
	v45 =	vld.idx.msk [tilespmem:v27+s8+$0x0], $0xffff  }
0xc3: {  	v57 =	vadd.s32 $0x1, v29;
	v40 =	vshrl.u32 v46, $0x1;
	v58 =	vadd.s32 $0x1, v28  }
0xc4: {  	v2 =	vadd.s32 $0x1, v27;
	v47 =	vadd.s32 $0x1, v25;
	vm0 =	vlt.f32 v31, v13  }
0xc5: {  	v31 =	vadd.s32 $0x1, v40;
	v5 =	vsel vm0, v57, v5;
	v22 =	vsel vm0, v22, v29  }
0xc6: {  	v29 =	vadd.s32 $0x1, v34;
	v49 =	vld.idx.msk [tilespmem:v25+s8+$0x0], $0xffff;
	vm0 =	vlt.f32 v60, v11;
	vm1 =	vlt.f32 v61, v12  }
0xc7: {  	v24 =	vsel vm0, v29, v24;
	v23 =	vsel vm0, v23, v34;
	vm0 =	vlt.f32 v45, v14  }
0xc8: {  	s25 =	simm.s32 $0x80;
	v29 =	vsel vm1, v58, v18;
	v26 =	vsel vm1, v26, v28;
	v28 =	vld.idx.msk [tilespmem:v40+s8+$0x0], $0xffff;
	v50 =	vadd.s32 v23, v24  }
0xc9: {  	v18 =	vld.idx.msk [tilespmem:v35+s8+$0x0], $0xffff;
	v58 =	vor.u32 s25, v59;
	v20 =	vsel vm0, v2, v20;
	v33 =	vshrl.u32 v50, $0x1  }
0xca: {  	v30 =	vsel vm0, v30, v27;
	v27 =	vadd.s32 v22, v5;
	v51 =	vadd.s32 v26, v29  }
0xcb: {  	vm0 =	vlt.f32 v49, v10;
	v52 =	vadd.s32 v30, v20;
	v27 =	vshrl.u32 v27, $0x1  }
0xcc: {  	s23 =	simm.s32 $0xB0;
	v34 =	vshrl.u32 v51, $0x1;
	v7 =	vsel vm0, v47, v7;
	v6 =	vsel vm0, v6, v25  }
0xcd: {  	v25 =	vor.u32 s23, v59;
	v36 =	vshrl.u32 v52, $0x1;
	vm1 =	vlt.f32 v28, v9  }
0xce: {  	vm0 =	vlt.f32 v18, v8;
	v31 =	vsel vm1, v31, v19;
	v39 =	vsel vm1, v16, v40;
	v18 =	vld.idx.msk [tilespmem:v33+s8+$0x0], $0xffff  }
0xcf: {  	v28 =	vsel vm0, v48, v17;
	v35 =	vsel vm0, v21, v35;
	v17 =	vadd.s32 v39, v31  }
0xd0: {  	v16 =	vadd.s32 v6, v7;
	v19 =	vld.idx.msk [tilespmem:v27+s8+$0x0], $0xffff;
	v40 =	vshrl.u32 v17, $0x1;
	v17 =	vmul.u32 $0x199A, v25  }
0xd1: {  	v53 =	vadd.s32 $0x1, v27;
	v21 =	vshrl.u32 v16, $0x1;
	v16 =	vadd.s32 v35, v28  }
0xd2: {  	v54 =	vadd.s32 $0x1, v34;
	v42 =	vshrl.u32 v16, $0x1;
	v17 =	vshrl.u32 v17, $0x10  }
0xd3: {  	v16 =	vadd.s32 $0x1, v33;
	v56 =	vmul.u32 $0x28, v17;
	vm0 =	vlt.f32 v18, v11  }
0xd4: {  	v38 =	vadd.s32 $0x1, v36;
	v55 =	vld.idx.msk [tilespmem:v34+s8+$0x0], $0xffff;
	v41 =	vadd.s32 $0x1, v21;
	v16 =	vsel vm0, v16, v24  }
0xd5: {  	s24 =	simm.s32 $0x90;
	v23 =	vsel vm0, v23, v33;
	vm0 =	vlt.f32 v19, v13;
	v33 =	vadd.s32 v25, v56  }
0xd6: {  	v17 =	vsel vm0, v53, v5;
	v5 =	vor.u32 s24, v59;
	v61 =	vadd.s32 $0xA, v33  }
0xd7: {  	v57 =	vld.idx.msk [tilespmem:v36+s8+$0x0], $0xffff;
	v18 =	vadd.s32 v23, v16;
	v2 =	vadd.s32 $0x14, v33;
	v25 =	vmul.u32 $0x199A, v5  }
0xd8: {  	v19 =	vshrl.u32 v18, $0x1;
	v18 =	vsel vm0, v22, v27;
	v27 =	vmul.u32 $0x199A, v62  }
0xd9: {  	v60 =	vld.idx.msk [tilespmem:v21+s8+$0x0], $0xffff;
	v49 =	vadd.s32 $0x1E, v33;
	vm0 =	vlt.f32 v55, v12;
	v25 =	vshrl.u32 v25, $0x10  }
0xda: {  	v22 =	vmul.u32 $0x199A, v58;
	v27 =	vshrl.u32 v27, $0x10;
	v52 =	vmul.u32 $0x28, v25;
	v53 =	vld.idx.msk [tilespmem:v33+s1+$0x0], $0xffff  }
0xdb: {  	v45 =	vadd.s32 $0x1, v42;
	v25 =	vsel vm0, v54, v29;
	v55 =	vmul.u32 $0x28, v27;
	v54 =	vld.idx.msk [tilespmem:v61+s1+$0x0], $0xffff  }
0xdc: {  	vm1 =	vlt.f32 v57, v14;
	v57 =	vld.idx.msk [tilespmem:v42+s8+$0x0], $0xffff;
	v22 =	vshrl.u32 v22, $0x10;
	v5 =	vadd.s32 v5, v52  }
0xdd: {  	v22 =	vmul.u32 $0x28, v22;
	v29 =	vsel vm1, v30, v36;
	v48 =	vld.idx.msk [tilespmem:v19+s8+$0x0], $0xffff;
	v30 =	vadd.s32 v62, v55  }
0xde: {  	v24 =	vadd.s32 $0x1, v40;
	v26 =	vsel vm0, v26, v34;
	v33 =	vadd.s32 $0x28, v33;
	v56 =	vld.idx.msk [tilespmem:v2+s1+$0x0], $0xffff  }
0xdf: {  	v27 =	vsel vm1, v38, v20;
	v49 =	vld.idx.msk [tilespmem:v49+s1+$0x0], $0xffff;
	v20 =	vadd.s32 v58, v22;
	v22 =	vadd.s32 $0xA, v5  }
0xe0: {  	vm1 =	vlt.f32 v60, v10;
	v61 =	vadd.s32 $0xA, v30;
	v32 =	vadd.f32 v54, v53;
	v53 =	vld.idx.msk [tilespmem:v0+s8+$0x0], $0xffff  }
0xe1: {  	v60 =	vadd.s32 v18, v17;
	vm2 =	vlt.f32 v57, v8;
	v58 =	vadd.s32 $0xA, v20;
	v50 =	vld.idx.msk [tilespmem:v5+s1+$0x0], $0xffff  }
0xe2: {  	v62 =	vadd.s32 $0x1, v19;
	v43 =	vadd.s32 $0x14, v5;
	vm0 =	vlt.f32 v48, v11;
	v55 =	vld.idx.msk [tilespmem:v30+s1+$0x0], $0xffff  }
0xe3: {  	v46 =	vshrl.u32 v60, $0x1;
	v21 =	vsel vm1, v6, v21;
	v48 =	vsel vm0, v62, v16;
	v16 =	vld.idx.msk [tilespmem:v33+s1+$0x0], $0xffff  }
0xe4: {  	v47 =	vadd.s32 $0x14, v30;
	v2 =	vadd.s32 $0x14, v20;
	v51 =	vsel vm0, v23, v19;
	v19 =	vld.idx.msk [tilespmem:v22+s1+$0x0], $0xffff  }
0xe5: {  	v37 =	vadd.s32 $0x1E, v20;
	v23 =	vadd.f32 v56, v32;
	v36 =	vld.idx.msk [tilespmem:v61+s1+$0x0], $0xffff;
	v22 =	vadd.s32 v51, v48  }
0xe6: {  	v54 =	vadd.s32 $0x28, v20;
	v33 =	vadd.s32 $0x1E, v5;
	v34 =	vld.idx.msk [tilespmem:v58+s1+$0x0], $0xffff;
	v52 =	vshrl.u32 v22, $0x1  }
0xe7: {  	v32 =	vadd.s32 $0x1E, v30;
	v61 =	vadd.s32 v26, v25;
	v6 =	vld.idx.msk [tilespmem:v43+s1+$0x0], $0xffff;
	v23 =	vadd.f32 v49, v23  }
0xe8: {  	v5 =	vadd.s32 $0x28, v5;
	v58 =	vadd.s32 $0x1, v46;
	v38 =	vshrl.u32 v61, $0x1;
	v22 =	vld.idx.msk [tilespmem:v40+s8+$0x0], $0xffff  }
0xe9: {  	v62 =	vld.idx.msk [tilespmem:v47+s1+$0x0], $0xffff;
	v49 =	vadd.s32 $0x28, v30;
	v43 =	vadd.s32 $0x1, v38;
	v16 =	vadd.f32 v16, v23  }
0xea: {  	v23 =	vadd.s32 v29, v27;
	v50 =	vadd.f32 v19, v50;
	v19 =	vsel vm1, v41, v7;
	v7 =	vld.idx.msk [tilespmem:v20+s1+$0x0], $0xffff  }
0xeb: {  	v36 =	vadd.f32 v36, v55;
	v56 =	vshrl.u32 v23, $0x1;
	v30 =	vld.idx.msk [tilespmem:v52+s8+$0x0], $0xffff;
	vm0 =	vlt.f32 v53, v16  }
0xec: {  	v33 =	vld.idx.msk [tilespmem:v33+s1+$0x0], $0xffff;
	v23 =	vsel vm2, v45, v28;
	v28 =	vadd.s32 v21, v19;
	v41 =	vsel vm0, $0x600, v1  }
0xed: {  	v32 =	vld.idx.msk [tilespmem:v32+s1+$0x0], $0xffff;
	vm3 =	vlt.f32 v22, v9;
	v57 =	vadd.s32 $0x1, v56;
	v6 =	vadd.f32 v6, v50  }
0xee: {  	v2 =	vld.idx.msk [tilespmem:v2+s1+$0x0], $0xffff;
	v36 =	vadd.f32 v62, v36;
	v20 =	vsel vm3, v24, v31;
	v22 =	vsel vm3, v39, v40  }
0xef: {  	v5 =	vld.idx.msk [tilespmem:v5+s1+$0x0], $0xffff;
	v24 =	vsel vm2, v35, v42;
	v55 =	vsel vm0, $0x800, v0;
	v60 =	vsel vm0, $0x401, v63  }
0xf0: {  	v45 =	vld.idx.msk [tilespmem:v49+s1+$0x0], $0xffff;
	v31 =	vadd.s32 v24, v23;
	v39 =	vadd.s32 v22, v20;
	vm1 =	vlt.f32 v30, v11  }
0xf1: {  	v7 =	vadd.f32 v34, v7;
	v30 =	vadd.s32 $0x1, v52;
	v42 =	vsel vm1, v51, v52;
	v51 =	vld.idx.msk [tilespmem:v41+s8+$0x0], $0xffff  }
0xf2: {  	v6 =	vadd.f32 v33, v6;
	v32 =	vadd.f32 v32, v36;
	v40 =	vsel vm1, v30, v48  }
0xf3: {  	v30 =	vshrl.u32 v28, $0x1;
	v28 =	vshrl.u32 v31, $0x1;
	v52 =	vld.idx.msk [tilespmem:v37+s1+$0x0], $0xffff;
	v31 =	vadd.s32 v42, v40  }
0xf4: {  	v61 =	vor.u32 $0x1, v41;
	v5 =	vadd.f32 v5, v6;
	v48 =	vld.idx.msk [tilespmem:v46+s8+$0x0], $0xffff;
	v37 =	vshrl.u32 v31, $0x1  }
0xf5: {  	v35 =	vld.idx.msk [tilespmem:v54+s1+$0x0], $0xffff;
	v7 =	vadd.f32 v2, v7;
	v6 =	vadd.f32 v45, v32;
	v47 =	vadd.s32 $0x1, v28  }
0xf6: {  	vm0 =	vlt.f32 v53, v5;
	v31 =	vshrl.u32 v39, $0x1;
	vm1 =	vlt.f32 v51, v16  }
0xf7: {  	v39 =	vadd.s32 $0x1, v30;
	v45 =	vsel vm0, $0x600, v1;
	v41 =	vsel vm1, v55, v41  }
0xf8: {  	v7 =	vadd.f32 v52, v7;
	v36 =	vsel vm1, v61, v60;
	v60 =	vld.idx.msk [tilespmem:v38+s8+$0x0], $0xffff;
	v2 =	vadd.s32 $0xFFFFFFFF, v41  }
0xf9: {  	vm4 =	vlt.f32 v48, v13;
	vm1 =	vlt.f32 v53, v6;
	v62 =	vld.idx.msk [tilespmem:v37+s8+$0x0], $0xffff;
	v52 =	vxor.u32 v2, v36  }
0xfa: {  	v7 =	vadd.f32 v35, v7;
	v54 =	vor.u32 v2, v36;
	v34 =	vshrl.u32 v52, $0x1  }
0xfb: {  	v61 =	vadd.s32 $0x1, v37;
	v32 =	vsel vm4, v58, v17;
	v34 =	vsub.s32 v54, v34  }
0xfc: {  	v55 =	vld.idx.msk [tilespmem:v56+s8+$0x0], $0xffff;
	v17 =	vor.u32 $0x1, v45;
	v35 =	vadd.s32 $0x1, v31;
	vm2 =	vlt.f32 v53, v7  }
0xfd: {  	v49 =	vsel vm1, $0x600, v1;
	v51 =	vsel vm1, $0x800, v0;
	v48 =	vld.idx.msk [tilespmem:v45+s8+$0x0], $0xffff;
	v50 =	vsel vm2, $0x800, v0  }
0xfe: {  	vm5 =	vlt.f32 v60, v12;
	v60 =	vor.u32 $0x1, v34;
	vm3 =	vlt.f32 v62, v11  }
0xff: {  	v25 =	vsel vm5, v43, v25;
	v43 =	vsel vm2, $0x401, v63;
	v26 =	vsel vm5, v26, v38  }
0x100: {  	v40 =	vsel vm3, v61, v40;
	v62 =	vsel vm3, v42, v37;
	v37 =	vsel vm2, $0x600, v1;
	v2 =	vld.idx.msk [tilespmem:v34+s8+$0x0], $0xffff  }
0x101: {  	v42 =	vsel vm0, $0x800, v0;
	vm3 =	vlt.f32 v55, v14;
	v33 =	vadd.s32 v62, v40  }
0x102: {  	v58 =	vld.idx.msk [tilespmem:v49+s8+$0x0], $0xffff;
	v61 =	vsel vm0, $0x401, v63;
	vm0 =	vlt.f32 v48, v5;
	v52 =	vshrl.u32 v33, $0x1  }
0x103: {  	v55 =	vadd.s32 v26, v25;
	v53 =	vor.u32 $0x1, v37;
	v27 =	vsel vm3, v57, v27  }
0x104: {  	v29 =	vsel vm3, v29, v56;
	v44 =	vsel vm0, v17, v61;
	v42 =	vsel vm0, v42, v45  }
0x105: {  	v33 =	vsel vm4, v18, v46;
	v18 =	vor.u32 $0x1, v49;
	vm2 =	vlt.f32 v2, v16  }
0x106: {  	v45 =	vadd.s32 v33, v32;
	v54 =	vld.idx.msk [tilespmem:v37+s8+$0x0], $0xffff;
	v36 =	vsel vm2, v60, v36;
	v34 =	vsel vm2, v41, v34  }
0x107: {  	vm0 =	vlt.f32 v58, v6;
	v58 =	vadd.s32 $0xFFFFFFFF, v42;
	v62 =	vld.idx.msk [tilespmem:v52+s8+$0x0], $0xffff;
	v57 =	vxor.u32 v34, v36  }
0x108: {  	v45 =	vshrl.u32 v45, $0x1;
	v17 =	vand.u32 v34, v36;
	v48 =	vshrl.u32 v57, $0x1  }
0x109: {  	v38 =	vsel vm0, v51, v49;
	v61 =	vxor.u32 v58, v44;
	v48 =	vadd.s32 v48, v17  }
0x10a: {  	v46 =	vor.u32 v58, v44;
	v58 =	vadd.s32 v29, v27;
	v49 =	vshrl.u32 v61, $0x1  }
0x10b: {  	v2 =	vsel vm1, $0x401, v63;
	v46 =	vsub.s32 v46, v49;
	v60 =	vadd.s32 $0xFFFFFFFF, v38  }
0x10c: {  	vm1 =	vlt.f32 v54, v7;
	vm2 =	vlt.f32 v62, v11;
	v11 =	vadd.s32 $0x1, v52  }
0x10d: {  	v41 =	vsel vm0, v18, v2;
	v37 =	vsel vm1, v50, v37;
	v17 =	vsel vm2, v11, v40;
	v11 =	vld.idx.msk [tilespmem:v30+s8+$0x0], $0xffff  }
0x10e: {  	v43 =	vsel vm1, v53, v43;
	v18 =	vadd.s32 $0xFFFFFFFF, v37;
	v62 =	vxor.u32 v60, v41;
	v2 =	vld.idx.msk [tilespmem:v48+s8+$0x0], $0xffff  }
0x10f: {  	v53 =	vshrl.u32 v55, $0x1;
	v56 =	vxor.u32 v18, v43;
	v50 =	vshrl.u32 v62, $0x1  }
0x110: {  	v18 =	vor.u32 v18, v43;
	v40 =	vor.u32 v60, v41;
	v62 =	vld.idx.msk [tilespmem:v46+s8+$0x0], $0xffff;
	v52 =	vshrl.u32 v56, $0x1  }
0x111: {  	v40 =	vsub.s32 v40, v50;
	v50 =	vor.u32 $0x1, v46;
	v49 =	vsub.s32 v18, v52;
	v18 =	vld.idx.msk [tilespmem:v31+s8+$0x0], $0xffff  }
0x112: {  	v57 =	vld.idx.msk [tilespmem:v28+s8+$0x0], $0xffff;
	v61 =	vor.u32 $0x1, v40;
	v52 =	vshrl.u32 v58, $0x1;
	v60 =	vor.u32 $0x1, v49  }
0x113: {  	vm0 =	vlt.f32 v11, v10;
	v11 =	vadd.s32 $0x1, v48;
	vm1 =	vlt.f32 v2, v16  }
0x114: {  	v19 =	vsel vm0, v39, v19;
	v36 =	vsel vm1, v11, v36;
	v34 =	vsel vm1, v34, v48  }
0x115: {  	v39 =	vadd.s32 $0x1, v52;
	v21 =	vsel vm0, v21, v30;
	v11 =	vadd.s32 v34, v36  }
0x116: {  	v30 =	vld.idx.msk [tilespmem:v40+s8+$0x0], $0xffff;
	vm0 =	vlt.f32 v62, v5;
	vm2 =	vlt.f32 v18, v9;
	v2 =	vshrl.u32 v11, $0x1  }
0x117: {  	v21 =	vadd.s32 v21, v19;
	v18 =	vsel vm2, v35, v20;
	vm1 =	vlt.f32 v57, v8  }
0x118: {  	v20 =	vsel vm2, v22, v31;
	v31 =	vsel vm0, v50, v44;
	v24 =	vsel vm1, v24, v28;
	v28 =	vld.idx.msk [tilespmem:v49+s8+$0x0], $0xffff  }
0x119: {  	v35 =	vsel vm0, v42, v46;
	v48 =	vadd.s32 $0x1, v45;
	v11 =	vsel vm1, v47, v23  }
0x11a: {  	v58 =	vld.idx.msk [tilespmem:v53+s8+$0x0], $0xffff;
	v22 =	vadd.s32 v20, v18;
	v20 =	vshrl.u32 v21, $0x1;
	v24 =	vadd.s32 v24, v11  }
0x11b: {  	v21 =	vshrl.u32 v22, $0x1;
	vm0 =	vlt.f32 v30, v6;
	v22 =	vshrl.u32 v24, $0x1;
	v24 =	vld.idx.msk [tilespmem:v2+s8+$0x0], $0xffff  }
0x11c: {  	v54 =	vxor.u32 v35, v31;
	v23 =	vadd.s32 $0x1, v53;
	v30 =	vsel vm0, v38, v40  }
0x11d: {  	v40 =	vshrl.u32 v54, $0x1;
	vm1 =	vlt.f32 v28, v7;
	v28 =	vsel vm0, v61, v41  }
0x11e: {  	v61 =	vand.u32 v35, v31;
	v38 =	vsel vm1, v60, v43;
	v37 =	vsel vm1, v37, v49  }
0x11f: {  	v57 =	vxor.u32 v30, v28;
	v40 =	vadd.s32 v40, v61;
	vm1 =	vlt.f32 v58, v12  }
0x120: {  	v41 =	vld.idx.msk [tilespmem:v45+s8+$0x0], $0xffff;
	v55 =	vxor.u32 v37, v38;
	vm0 =	vlt.f32 v24, v16;
	v24 =	vadd.s32 $0x1, v2  }
0x121: {  	v60 =	vld.idx.msk [tilespmem:v52+s8+$0x0], $0xffff;
	v62 =	vshrl.u32 v57, $0x1;
	v24 =	vsel vm0, v24, v36;
	v34 =	vsel vm0, v34, v2  }
0x122: {  	v54 =	vand.u32 v37, v38;
	v47 =	vadd.s32 $0x1, v40;
	v2 =	vadd.s32 v34, v24  }
0x123: {  	v50 =	vld.idx.msk [tilespmem:v20+s8+$0x0], $0xffff;
	v42 =	vshrl.u32 v55, $0x1;
	v55 =	vand.u32 v30, v28;
	v43 =	vshrl.u32 v2, $0x1  }
0x124: {  	v56 =	vld.idx.msk [tilespmem:v21+s8+$0x0], $0xffff;
	v23 =	vsel vm1, v23, v25;
	v42 =	vadd.s32 v42, v54;
	v36 =	vadd.s32 v62, v55  }
0x125: {  	v25 =	vsel vm1, v26, v53;
	v49 =	vld.idx.msk [tilespmem:v22+s8+$0x0], $0xffff;
	v54 =	vadd.s32 $0x1, v42;
	vm0 =	vlt.f32 v41, v13  }
0x126: {  	vm2 =	vlt.f32 v60, v14;
	v57 =	vld.idx.msk [tilespmem:v40+s8+$0x0], $0xffff;
	v32 =	vsel vm0, v48, v32;
	v33 =	vsel vm0, v33, v45  }
0x127: {  	v26 =	vsel vm2, v39, v27;
	v27 =	vsel vm2, v29, v52;
	v29 =	vadd.s32 v33, v32  }
0x128: {  	v62 =	vadd.s32 v25, v23;
	vm2 =	vlt.f32 v50, v10;
	v29 =	vshrl.u32 v29, $0x1;
	v58 =	vld.idx.msk [tilespmem:v43+s8+$0x0], $0xffff  }
0x129: {  	v51 =	vadd.s32 $0x1, v36;
	v61 =	vadd.s32 v27, v26;
	v48 =	vshrl.u32 v62, $0x1;
	v60 =	vld.idx.msk [tilespmem:v36+s8+$0x0], $0xffff  }
0x12a: {  	vm0 =	vlt.f32 v56, v9;
	vm1 =	vlt.f32 v49, v8;
	v46 =	vshrl.u32 v61, $0x1  }
0x12b: {  	v2 =	vld.idx.msk [tilespmem:v42+s8+$0x0], $0xffff;
	v50 =	vadd.s32 $0x1, v48;
	v10 =	vadd.s32 $0x1, v46;
	vm3 =	vlt.f32 v57, v5  }
0x12c: {  	v9 =	vadd.s32 $0x1, v43;
	v8 =	vsel vm3, v47, v31;
	v31 =	vsel vm3, v35, v40  }
0x12d: {  	v53 =	vadd.s32 $0x1, v29;
	v57 =	vadd.s32 v31, v8;
	v52 =	vld.idx.msk [tilespmem:v29+s8+$0x0], $0xffff;
	vm4 =	vlt.f32 v58, v16  }
0x12e: {  	v56 =	vld.idx.msk [tilespmem:v48+s8+$0x0], $0xffff;
	vm3 =	vlt.f32 v60, v6;
	v9 =	vsel vm4, v9, v24;
	v24 =	vsel vm4, v34, v43  }
0x12f: {  	v28 =	vsel vm3, v51, v28;
	v30 =	vsel vm3, v30, v36;
	v55 =	vadd.s32 v24, v9  }
0x130: {  	v61 =	vadd.s32 v30, v28;
	vm4 =	vlt.f32 v2, v7;
	v35 =	vshrl.u32 v55, $0x1  }
0x131: {  	v39 =	vshrl.u32 v57, $0x1;
	v58 =	vld.idx.msk [tilespmem:v46+s8+$0x0], $0xffff;
	v37 =	vsel vm4, v37, v42;
	v42 =	vshrl.u32 v61, $0x1  }
0x132: {  	v62 =	vadd.s32 $0x1, v39;
	vm3 =	vlt.f32 v52, v13;
	v38 =	vsel vm4, v54, v38  }
0x133: {  	v32 =	vsel vm3, v53, v32;
	v29 =	vsel vm3, v33, v29;
	vm3 =	vlt.f32 v56, v12  }
0x134: {  	s28 =	simm.s32 $0xF0;
	v60 =	vadd.s32 v37, v38;
	v2 =	vadd.s32 $0x1, v42;
	v34 =	vsel vm3, v50, v23  }
0x135: {  	s31 =	simm.s32 $0xE0;
	v36 =	vsel vm3, v25, v48;
	v23 =	vadd.s32 v29, v32;
	v55 =	vor.u32 s28, v59;
	v54 =	vld.idx.msk [tilespmem:v35+s8+$0x0], $0xffff  }
0x136: {  	v48 =	vor.u32 s31, v59;
	v41 =	vshrl.u32 v60, $0x1;
	vm4 =	vlt.f32 v58, v14;
	v56 =	vld.idx.msk [tilespmem:v42+s8+$0x0], $0xffff  }
0x137: {  	s29 =	simm.s32 $0xD0;
	v45 =	vadd.s32 $0x1, v41;
	v10 =	vsel vm4, v10, v26;
	v40 =	vsel vm4, v27, v46  }
0x138: {  	v25 =	vld.idx.msk [tilespmem:v39+s8+$0x0], $0xffff;
	v58 =	vor.u32 s29, v59;
	v27 =	vshrl.u32 v23, $0x1;
	v26 =	vadd.s32 v40, v10  }
0x139: {  	v23 =	vadd.s32 v36, v34;
	v47 =	vshrl.u32 v26, $0x1;
	v26 =	vmul.u32 $0x199A, v55  }
0x13a: {  	v49 =	vshrl.u32 v23, $0x1;
	v23 =	vadd.s32 $0x1, v35;
	vm3 =	vlt.f32 v54, v16  }
0x13b: {  	v57 =	vld.idx.msk [tilespmem:v41+s8+$0x0], $0xffff;
	vm4 =	vlt.f32 v56, v6;
	v9 =	vsel vm3, v23, v9;
	v23 =	vshrl.u32 v26, $0x10  }
0x13c: {  	v56 =	vadd.s32 $0x1, v21;
	v35 =	vsel vm3, v24, v35;
	v26 =	vmul.u32 $0x28, v23  }
0x13d: {  	vm3 =	vlt.f32 v25, v5;
	v25 =	vmul.u32 $0x199A, v58;
	v24 =	vadd.s32 v35, v9  }
0x13e: {  	v51 =	vshrl.u32 v24, $0x1;
	v24 =	vsel vm3, v62, v8;
	v8 =	vadd.s32 v55, v26  }
0x13f: {  	s30 =	simm.s32 $0xC0;
	v54 =	vadd.s32 $0x1, v20;
	v23 =	vsel vm3, v31, v39;
	v31 =	vadd.s32 $0xA, v8  }
0x140: {  	v33 =	vld.idx.msk [tilespmem:v27+s8+$0x0], $0xffff;
	v39 =	vor.u32 s30, v59;
	v25 =	vshrl.u32 v25, $0x10;
	vm3 =	vlt.f32 v57, v7  }
0x141: {  	v46 =	vld.idx.msk [tilespmem:v49+s8+$0x0], $0xffff;
	v60 =	vmul.u32 $0x199A, v39;
	v25 =	vmul.u32 $0x28, v25;
	v61 =	vadd.s32 $0x14, v8  }
0x142: {  	v26 =	vsel vm4, v2, v28;
	v28 =	vmul.u32 $0x199A, v48;
	v55 =	vld.idx.msk [tilespmem:v47+s8+$0x0], $0xffff;
	v2 =	vadd.s32 $0x1E, v8  }
0x143: {  	v43 =	vshrl.u32 v60, $0x10;
	v44 =	vadd.s32 v58, v25;
	v25 =	vsel vm4, v30, v42;
	v30 =	vld.idx.msk [tilespmem:v8+s1+$0x0], $0xffff  }
0x144: {  	v28 =	vshrl.u32 v28, $0x10;
	v43 =	vmul.u32 $0x28, v43;
	v57 =	vadd.s32 $0xA, v44;
	v58 =	vld.idx.msk [tilespmem:v31+s1+$0x0], $0xffff  }
0x145: {  	v37 =	vsel vm3, v37, v41;
	v28 =	vmul.u32 $0x28, v28;
	v62 =	vld.idx.msk [tilespmem:v51+s8+$0x0], $0xffff;
	v8 =	vadd.s32 $0x28, v8  }
0x146: {  	v50 =	vadd.s32 $0x1E, v44;
	v39 =	vadd.s32 v39, v43;
	v43 =	vadd.s32 $0x1, v47;
	v60 =	vld.idx.msk [tilespmem:v61+s1+$0x0], $0xffff  }
0x147: {  	v28 =	vadd.s32 v48, v28;
	vm5 =	vlt.f32 v55, v14;
	v31 =	vsel vm3, v45, v38;
	v42 =	vld.idx.msk [tilespmem:v2+s1+$0x0], $0xffff  }
0x148: {  	v38 =	vadd.s32 $0x1, v27;
	v61 =	vadd.s32 $0x1, v51;
	v2 =	vadd.s32 $0xA, v39;
	v48 =	vld.idx.msk [tilespmem:v44+s1+$0x0], $0xffff  }
0x149: {  	vm3 =	vlt.f32 v33, v13;
	v45 =	vadd.s32 $0x14, v28;
	v53 =	vld.idx.msk [tilespmem:v57+s1+$0x0], $0xffff;
	v30 =	vadd.f32 v58, v30  }
0x14a: {  	v57 =	vadd.s32 $0x1, v22;
	vm4 =	vlt.f32 v62, v16;
	v62 =	vadd.s32 $0xA, v28;
	v8 =	vld.idx.msk [tilespmem:v8+s1+$0x0], $0xffff  }
0x14b: {  	v9 =	vsel vm4, v61, v9;
	v35 =	vsel vm4, v35, v51;
	v21 =	vadd.f32 v60, v30  }
0x14c: {  	v33 =	vld.idx.msk [tilespmem:v0+s8+$0x0], $0xffff;
	v51 =	vadd.s32 $0x1, v49;
	vm4 =	vlt.f32 v46, v12;
	v20 =	vadd.s32 v35, v9  }
0x14d: {  	v61 =	vld.idx.msk [tilespmem:v28+s1+$0x0], $0xffff;
	v22 =	vsel vm4, v51, v34;
	v41 =	vshrl.u32 v20, $0x1;
	v20 =	vadd.f32 v42, v21  }
0x14e: {  	v52 =	vld.idx.msk [tilespmem:v2+s1+$0x0], $0xffff;
	v51 =	vadd.s32 $0x28, v28;
	v30 =	vadd.s32 $0x14, v44;
	v60 =	vadd.s32 $0x14, v39  }
0x14f: {  	v48 =	vadd.f32 v53, v48;
	v53 =	vadd.s32 $0x1E, v28;
	v58 =	vld.idx.msk [tilespmem:v62+s1+$0x0], $0xffff;
	v8 =	vadd.f32 v8, v20  }
0x150: {  	v44 =	vadd.s32 $0x28, v44;
	v28 =	vsel vm5, v40, v47;
	v62 =	vld.idx.msk [tilespmem:v39+s1+$0x0], $0xffff;
	v21 =	vsel vm3, v29, v27  }
0x151: {  	v27 =	vsel vm5, v43, v10;
	v20 =	vsel vm3, v38, v32;
	vm3 =	vlt.f32 v33, v8  }
0x152: {  	v29 =	vsel vm4, v36, v49;
	v49 =	vadd.s32 v37, v31;
	v2 =	vld.idx.msk [tilespmem:v41+s8+$0x0], $0xffff;
	v43 =	vsel vm3, $0x600, v1  }
0x153: {  	v36 =	vshrl.u32 v49, $0x1;
	v32 =	vadd.s32 $0x1E, v39;
	v39 =	vadd.s32 $0x28, v39;
	v10 =	vld.idx.msk [tilespmem:v30+s1+$0x0], $0xffff  }
0x154: {  	v30 =	vadd.s32 v23, v24;
	v42 =	vld.idx.msk [tilespmem:v60+s1+$0x0], $0xffff;
	v60 =	vadd.s32 v25, v26;
	v58 =	vadd.f32 v58, v61  }
0x155: {  	v40 =	vld.idx.msk [tilespmem:v45+s1+$0x0], $0xffff;
	v47 =	vshrl.u32 v30, $0x1;
	v46 =	vshrl.u32 v60, $0x1;
	v38 =	vadd.f32 v52, v62  }
0x156: {  	v61 =	vld.idx.msk [tilespmem:v50+s1+$0x0], $0xffff;
	v50 =	vadd.s32 $0x1, v36;
	v30 =	vsel vm2, v54, v19;
	v19 =	vadd.s32 $0x1, v41  }
0x157: {  	v54 =	vadd.s32 $0x1, v47;
	v55 =	vsel vm3, $0x800, v0;
	vm2 =	vlt.f32 v2, v16;
	v2 =	vld.idx.msk [tilespmem:v43+s8+$0x0], $0xffff  }
0x158: {  	v62 =	vld.idx.msk [tilespmem:v53+s1+$0x0], $0xffff;
	v60 =	vor.u32 $0x1, v43;
	v53 =	vsel vm2, v19, v9;
	v35 =	vsel vm2, v35, v41  }
0x159: {  	v44 =	vld.idx.msk [tilespmem:v44+s1+$0x0], $0xffff;
	v41 =	vadd.s32 $0x1, v46;
	v10 =	vadd.f32 v10, v48;
	v19 =	vadd.s32 v35, v53  }
0x15a: {  	v9 =	vld.idx.msk [tilespmem:v32+s1+$0x0], $0xffff;
	v48 =	vadd.f32 v40, v58;
	v40 =	vadd.s32 v21, v20;
	v45 =	vshrl.u32 v19, $0x1  }
0x15b: {  	v58 =	vsel vm3, $0x401, v63;
	v40 =	vshrl.u32 v40, $0x1;
	v52 =	vld.idx.msk [tilespmem:v47+s8+$0x0], $0xffff;
	v19 =	vadd.f32 v42, v38  }
0x15c: {  	v38 =	vadd.s32 v29, v22;
	v10 =	vadd.f32 v61, v10;
	vm2 =	vlt.f32 v2, v8  }
0x15d: {  	v34 =	vld.idx.msk [tilespmem:v51+s1+$0x0], $0xffff;
	v32 =	vadd.f32 v62, v48;
	v61 =	vadd.s32 v28, v27;
	v42 =	vsel vm2, v55, v43  }
0x15e: {  	v39 =	vld.idx.msk [tilespmem:v39+s1+$0x0], $0xffff;
	v38 =	vshrl.u32 v38, $0x1;
	v48 =	vsel vm2, v60, v58;
	v62 =	vadd.s32 $0xFFFFFFFF, v42  }
0x15f: {  	v2 =	vadd.f32 v9, v19;
	v9 =	vadd.f32 v44, v10;
	v58 =	vld.idx.msk [tilespmem:v45+s8+$0x0], $0xffff;
	v10 =	vxor.u32 v62, v48  }
0x160: {  	vm4 =	vlt.f32 v52, v5;
	v19 =	vor.u32 v62, v48;
	v10 =	vshrl.u32 v10, $0x1  }
0x161: {  	v43 =	vshrl.u32 v61, $0x1;
	v61 =	vadd.s32 $0x1, v45;
	v49 =	vsub.s32 v19, v10  }
0x162: {  	v19 =	vsel vm1, v57, v11;
	v10 =	vadd.f32 v34, v32;
	vm1 =	vlt.f32 v33, v9  }
0x163: {  	v60 =	vld.idx.msk [tilespmem:v36+s8+$0x0], $0xffff;
	v32 =	vsel vm0, v56, v18;
	v11 =	vadd.f32 v39, v2;
	v34 =	vsel vm4, v23, v47  }
0x164: {  	v18 =	vld.idx.msk [tilespmem:v46+s8+$0x0], $0xffff;
	v39 =	vsel vm1, $0x600, v1;
	vm3 =	vlt.f32 v58, v16;
	v32 =	vcvt.s32.f32 v32  }
0x165: {  	v19 =	vcvt.s32.f32 v19;
	vm0 =	vlt.f32 v33, v10;
	vm2 =	vlt.f32 v33, v11  }
0x166: {  	v51 =	vsel vm3, v61, v53;
	v62 =	vsel vm3, v35, v45;
	v44 =	vsel vm0, $0x600, v1  }
0x167: {  	v45 =	vsel vm1, $0x800, v0;
	v35 =	vsel vm2, $0x600, v1;
	v33 =	vadd.s32 v62, v51;
	v2 =	vld.idx.msk [tilespmem:v49+s8+$0x0], $0xffff  }
0x168: {  	vm3 =	vlt.f32 v60, v7;
	v55 =	vsel vm2, $0x800, v0;
	v60 =	vshrl.u32 v33, $0x1  }
0x169: {  	v61 =	vsel vm0, $0x800, v0;
	v62 =	vor.u32 $0x1, v39;
	vm5 =	vlt.f32 v18, v6;
	v18 =	vld.idx.msk [tilespmem:v39+s8+$0x0], $0xffff  }
0x16a: {  	v23 =	vsel vm3, v50, v31;
	v53 =	vsel vm2, $0x401, v63;
	v19 =	vsub.f32 $2.000000000e+03, v19  }
0x16b: {  	v33 =	vsel vm4, v54, v24;
	v54 =	vor.u32 $0x1, v35;
	v31 =	vor.u32 $0x1, v44;
	v0 =	vld.idx.msk [tilespmem:v44+s8+$0x0], $0xffff  }
0x16c: {  	v24 =	vsel vm5, v41, v26;
	v26 =	vor.u32 $0x1, v49;
	v1 =	vld.idx.msk [tilespmem:v35+s8+$0x0], $0xffff;
	vm4 =	vlt.f32 v2, v8  }
0x16d: {  	v25 =	vsel vm5, v25, v46;
	v2 =	vld.idx.msk [tilespmem:v60+s8+$0x0], $0xffff;
	v48 =	vsel vm4, v26, v48;
	v42 =	vsel vm4, v42, v49  }
0x16e: {  	v26 =	vsel vm3, v37, v36;
	vm3 =	vlt.f32 v18, v9;
	v49 =	vxor.u32 v42, v48  }
0x16f: {  	v18 =	vand.u32 v42, v48;
	v39 =	vsel vm3, v45, v39;
	v37 =	vshrl.u32 v49, $0x1  }
0x170: {  	v58 =	vld.idx.msk [tilespmem:v40+s8+$0x0], $0xffff;
	v57 =	vadd.s32 $0xFFFFFFFF, v39;
	v49 =	vadd.s32 v37, v18;
	v18 =	vsel vm1, $0x401, v63  }
0x171: {  	vm1 =	vlt.f32 v1, v11;
	v47 =	vsel vm3, v62, v18;
	v18 =	vsel vm0, $0x401, v63  }
0x172: {  	vm0 =	vlt.f32 v0, v10;
	vm2 =	vlt.f32 v2, v16;
	v16 =	vadd.s32 $0x1, v60  }
0x173: {  	v35 =	vsel vm1, v55, v35;
	v46 =	vsel vm1, v54, v53;
	v60 =	vsel vm0, v61, v44  }
0x174: {  	v45 =	vsel vm2, v16, v51;
	v62 =	vadd.s32 $0xFFFFFFFF, v35;
	v63 =	vsel vm0, v31, v18  }
0x175: {  	v61 =	vld.idx.msk [tilespmem:v38+s8+$0x0], $0xffff;
	v1 =	vxor.u32 v57, v47;
	v37 =	vor.u32 v57, v47;
	vm0 =	vlt.f32 v58, v13  }
0x176: {  	v31 =	vld.idx.msk [tilespmem:v43+s8+$0x0], $0xffff;
	v58 =	vadd.s32 v26, v23;
	v16 =	vadd.s32 $0xFFFFFFFF, v60;
	v54 =	vxor.u32 v62, v46  }
0x177: {  	v52 =	vshrl.u32 v1, $0x1;
	v50 =	vor.u32 v62, v46;
	v45 =	vcvt.s32.f32 v45  }
0x178: {  	v2 =	vxor.u32 v16, v63;
	v54 =	vshrl.u32 v54, $0x1;
	v16 =	vor.u32 v16, v63;
	v18 =	vld.idx.msk [tilespmem:v49+s8+$0x0], $0xffff  }
0x179: {  	v52 =	vsub.s32 v37, v52;
	v53 =	vshrl.u32 v2, $0x1;
	v50 =	vsub.s32 v50, v54  }
0x17a: {  	v53 =	vsub.s32 v16, v53;
	v16 =	vadd.s32 $0x1, v40;
	v56 =	vor.u32 $0x1, v50  }
0x17b: {  	vm2 =	vlt.f32 v61, v12;
	vm3 =	vlt.f32 v31, v14;
	v16 =	vsel vm0, v16, v20  }
0x17c: {  	v20 =	vsel vm0, v21, v40;
	v21 =	vadd.s32 $0x1, v43;
	v54 =	vor.u32 $0x1, v53  }
0x17d: {  	v0 =	vld [tilespmem:$0x1FFF0];
	vm1 =	vlt.f32 v18, v8;
	v18 =	vcvt.s32.f32 v17;
	v17 =	vadd.s32 $0x1, v38  }
0x17e: {  	v20 =	vadd.s32 v20, v16;
	v17 =	vsel vm2, v17, v22;
	v22 =	vsub.f32 $2.000000000e+03, v15  }
0x17f: {  	v15 =	vsel vm3, v21, v27;
	v27 =	vadd.s32 $0x1, v49;
	v44 =	vsub.f32 $2.000000000e+03, v18  }
0x180: {  	v21 =	vld.idx.msk [tilespmem:v52+s8+$0x0], $0xffff;
	v18 =	vsel vm3, v28, v43;
	v28 =	vsel vm2, v29, v38;
	v38 =	vsel vm1, v27, v48  }
0x181: {  	v29 =	vld.idx.msk [tilespmem:v53+s8+$0x0], $0xffff;
	v31 =	vadd.s32 v18, v15;
	v18 =	vshrl.u32 v20, $0x1;
	v28 =	vadd.s32 v28, v17  }
0x182: {  	v48 =	vld.idx.msk [tilespmem:v50+s8+$0x0], $0xffff;
	v27 =	vmul.f32 v22, v0;
	v22 =	vcvt.s32.f32 v30;
	v37 =	vshrl.u32 v28, $0x1  }
0x183: {  	v30 =	vadd.s32 v34, v33;
	v31 =	vshrl.u32 v31, $0x1;
	v28 =	vsel vm1, v42, v49  }
0x184: {  	v20 =	vmul.f32 v44, v0;
	v30 =	vshrl.u32 v30, $0x1;
	v49 =	vadd.s32 v28, v38  }
0x185: {  	vm0 =	vlt.f32 v21, v9;
	v21 =	vor.u32 $0x1, v52;
	v41 =	vshrl.u32 v49, $0x1  }
0x186: {  	v21 =	vsel vm0, v21, v47;
	v39 =	vsel vm0, v39, v52;
	vm0 =	vlt.f32 v29, v10;
	v29 =	vld.idx.msk [tilespmem:v18+s8+$0x0], $0xffff  }
0x187: {  	vm1 =	vlt.f32 v48, v11;
	v36 =	vsel vm0, v60, v53;
	v60 =	vadd.s32 v25, v24;
	v57 =	vld.idx.msk [tilespmem:v37+s8+$0x0], $0xffff  }
0x188: {  	v22 =	vsub.f32 $2.000000000e+03, v22;
	v47 =	vsel vm1, v35, v50;
	v55 =	vld.idx.msk [tilespmem:v31+s8+$0x0], $0xffff;
	v35 =	vshrl.u32 v60, $0x1  }
0x189: {  	v42 =	vsel vm0, v54, v63;
	v43 =	vsel vm1, v56, v46;
	v46 =	vshrl.u32 v58, $0x1  }
0x18a: {  	v53 =	vsub.f32 $2.000000000e+03, v32;
	v54 =	vadd.s32 $0x1, v30;
	v61 =	vxor.u32 v36, v42  }
0x18b: {  	v62 =	vand.u32 v47, v43;
	vm1 =	vlt.f32 v29, v13;
	v13 =	vxor.u32 v39, v21;
	v29 =	vld.idx.msk [tilespmem:v41+s8+$0x0], $0xffff  }
0x18c: {  	v63 =	vld.idx.msk [tilespmem:v30+s8+$0x0], $0xffff;
	v13 =	vshrl.u32 v13, $0x1;
	vm2 =	vlt.f32 v57, v12;
	v12 =	vand.u32 v39, v21  }
0x18d: {  	vm0 =	vlt.f32 v55, v14;
	v14 =	vxor.u32 v47, v43;
	v51 =	vld.idx.msk [tilespmem:v35+s8+$0x0], $0xffff;
	v13 =	vadd.s32 v13, v12  }
0x18e: {  	v50 =	vand.u32 v36, v42;
	v58 =	vadd.s32 $0x1, v35;
	v52 =	vld.idx.msk [tilespmem:v46+s8+$0x0], $0xffff;
	v14 =	vshrl.u32 v14, $0x1  }
0x18f: {  	v55 =	vadd.s32 $0x1, v46;
	v12 =	vshrl.u32 v61, $0x1;
	v14 =	vadd.s32 v14, v62  }
0x190: {  	v40 =	vadd.s32 v12, v50;
	v12 =	vadd.s32 $0x1, v41;
	vm3 =	vlt.f32 v29, v8  }
0x191: {  	[tilespmem:$0x1FFE0] =	vst v53;
	v29 =	vsel vm3, v12, v38;
	v28 =	vsel vm3, v28, v41;
	vm3 =	vlt.f32 v63, v5  }
0x192: {  	vm4 =	vlt.f32 v51, v6;
	v56 =	vadd.s32 v28, v29;
	v33 =	vsel vm3, v54, v33;
	v57 =	vld.idx.msk [tilespmem:v13+s8+$0x0], $0xffff  }
0x193: {  	v30 =	vsel vm3, v34, v30;
	vm3 =	vlt.f32 v52, v7;
	v44 =	vshrl.u32 v56, $0x1  }
0x194: {  	v24 =	vsel vm4, v58, v24;
	v25 =	vsel vm4, v25, v35;
	v60 =	vadd.s32 v30, v33  }
0x195: {  	v38 =	vld.idx.msk [tilespmem:v40+s8+$0x0], $0xffff;
	v48 =	vsel vm3, v55, v23;
	v63 =	vadd.s32 v25, v24;
	v23 =	vshrl.u32 v60, $0x1  }
0x196: {  	v32 =	vsub.f32 $2.000000000e+03, v45;
	v61 =	vld.idx.msk [tilespmem:v14+s8+$0x0], $0xffff;
	v26 =	vsel vm3, v26, v46;
	v45 =	vshrl.u32 v63, $0x1  }
0x197: {  	v62 =	vadd.s32 $0x1, v13;
	v1 =	vadd.s32 v26, v48;
	vm3 =	vlt.f32 v57, v9  }
0x198: {  	v2 =	vmul.f32 v22, v0;
	v41 =	vshrl.u32 v1, $0x1;
	v56 =	vsel vm3, v62, v21;
	v21 =	vld.idx.msk [tilespmem:v44+s8+$0x0], $0xffff  }
0x199: {  	v58 =	vmul.f32 v32, v0;
	v60 =	vadd.s32 $0x1, v14;
	v57 =	vmul.f32 v19, v0  }
0x19a: {  	v19 =	vadd.s32 $0x1, v40;
	v13 =	vsel vm3, v39, v13;
	vm3 =	vlt.f32 v38, v10;
	v22 =	vld.idx.msk [tilespmem:v23+s8+$0x0], $0xffff  }
0x19b: {  	vm4 =	vlt.f32 v61, v11;
	v39 =	vsel vm3, v19, v42;
	v19 =	vadd.s32 v13, v56;
	v61 =	vld.idx.msk [tilespmem:v45+s8+$0x0], $0xffff  }
0x19c: {  	v34 =	vsel vm3, v36, v40;
	v35 =	vsel vm4, v60, v43;
	v36 =	vsel vm4, v47, v14  }
0x19d: {  	v62 =	vshrl.u32 v19, $0x1;
	v14 =	vld.idx.msk [tilespmem:v41+s8+$0x0], $0xffff;
	v19 =	vadd.s32 $0x1, v44;
	vm3 =	vlt.f32 v21, v8  }
0x19e: {  	v21 =	vadd.s32 $0x1, v23;
	v43 =	vsel vm3, v19, v29;
	v19 =	vadd.s32 v34, v39  }
0x19f: {  	vm4 =	vlt.f32 v22, v5;
	v29 =	vadd.s32 $0x1, v41;
	v44 =	vsel vm3, v28, v44  }
0x1a0: {  	v28 =	vadd.s32 $0x1, v45;
	vm3 =	vlt.f32 v61, v6;
	v42 =	vshrl.u32 v19, $0x1  }
0x1a1: {  	v19 =	vadd.s32 v36, v35;
	v22 =	vsel vm4, v21, v33;
	v21 =	vsel vm4, v30, v23  }
0x1a2: {  	v30 =	vadd.s32 $0x1, v62;
	vm4 =	vlt.f32 v14, v7;
	v24 =	vsel vm3, v28, v24  }
0x1a3: {  	v14 =	vadd.s32 v44, v43;
	v23 =	vsel vm3, v25, v45;
	v38 =	vshrl.u32 v19, $0x1;
	v19 =	vld.idx.msk [tilespmem:v62+s8+$0x0], $0xffff  }
0x1a4: {  	v47 =	vadd.s32 $0x1, v42;
	v25 =	vsel vm4, v29, v48;
	v46 =	vshrl.u32 v14, $0x1  }
0x1a5: {  	s13 =	simm.s32 $0x2120;
	v26 =	vsel vm4, v26, v41;
	v14 =	vadd.s32 v21, v22;
	v45 =	vadd.s32 $0x1, v38;
	v63 =	vld.idx.msk [tilespmem:v42+s8+$0x0], $0xffff  }
0x1a6: {  	s11 =	simm.s32 $0x2160;
	[tilespmem:s13+$0x10] =	vst v27;
	v27 =	vadd.s32 v26, v25;
	v28 =	vshrl.u32 v14, $0x1;
	v14 =	vadd.s32 v23, v24  }
0x1a7: {  	[tilespmem:s11+$0x10] =	vst v20;
	v27 =	vshrl.u32 v27, $0x1;
	v32 =	vadd.s32 $0x1, v28;
	v29 =	vshrl.u32 v14, $0x1  }
0x1a8: {  	s12 =	simm.s32 $0x21A0;
	[tilespmem:s13+$0xFFFFFFF0] =	vst v2;
	v14 =	vadd.s32 $0x1, v18;
	v18 =	vadd.s32 $0x1, v37;
	vm3 =	vlt.f32 v19, v9  }
0x1a9: {  	[tilespmem:s12+$0x10] =	vst v58;
	v33 =	vadd.s32 $0x1, v29;
	v49 =	vld.idx.msk [tilespmem:v38+s8+$0x0], $0xffff;
	v19 =	vsel vm3, v30, v56;
	v20 =	vsel vm3, v13, v62  }
0x1aa: {  	s14 =	simm.s32 $0xC;
	s15 =	simm.s32 $0x100;
	[tilespmem:s13+$0x0] =	vst v57;
	v48 =	vld.idx.msk [tilespmem:v46+s8+$0x0], $0xffff;
	v30 =	vadd.s32 $0x1, v27;
	v13 =	vadd.s32 $0x1, v31;
	vm3 =	vlt.f32 v63, v10  }
.LBB2_2:
0x1ab: {  	_ = 	snop  }
0x1ac: {  	v37 =	vor.u32 s15, v59;
	s17 =	sadd.s32 $0x30, s15;
	v31 =	vsel vm3, v47, v39  }
0x1ad: {  	s16 =	sadd.s32 $0x10, s15;
	s31 =	sadd.s32 $0x20, s15;
	v58 =	vadd.s32 $0x1, v46;
	v56 =	vmul.u32 $0x199A, v37;
	v57 =	vor.u32 s17, v59  }
0x1ae: {  	v40 =	vor.u32 s16, v59;
	v52 =	vor.u32 s31, v59;
	v50 =	vmul.u32 $0x199A, v57  }
0x1af: {  	v60 =	vmul.u32 $0x199A, v40;
	v39 =	vshrl.u32 v56, $0x10;
	vm5 =	vlt.f32 v48, v8  }
0x1b0: {  	v61 =	vshrl.u32 v50, $0x10;
	v43 =	vsel vm5, v58, v43;
	v44 =	vsel vm5, v44, v46  }
0x1b1: {  	v39 =	vmul.u32 $0x28, v39;
	v48 =	vmul.u32 $0x28, v61;
	v62 =	vadd.s32 v44, v43  }
0x1b2: {  	vm4 =	vlt.f32 v49, v11;
	v46 =	vshrl.u32 v60, $0x10;
	v50 =	vshrl.u32 v62, $0x1  }
0x1b3: {  	v35 =	vsel vm4, v45, v35;
	v45 =	vadd.s32 v37, v39;
	v47 =	vadd.s32 v57, v48  }
0x1b4: {  	v41 =	vld.idx.msk [tilespmem:v28+s8+$0x0], $0xffff;
	v53 =	vmul.u32 $0x199A, v52;
	v63 =	vmul.u32 $0x28, v46;
	v60 =	vadd.s32 $0x1E, v45  }
0x1b5: {  	v51 =	vld.idx.msk [tilespmem:v27+s8+$0x0], $0xffff;
	v48 =	vadd.s32 $0xA, v47  }
0x1b6: {  	v49 =	vld.idx.msk [tilespmem:v29+s8+$0x0], $0xffff;
	v0 =	vshrl.u32 v53, $0x10;
	v40 =	vadd.s32 v40, v63  }
0x1b7: {  	v36 =	vsel vm4, v36, v38;
	v46 =	vmul.u32 $0x28, v0;
	v1 =	vadd.s32 $0x14, v47;
	v38 =	vld.idx.msk [tilespmem:v50+s8+$0x0], $0xffff  }
0x1b8: {  	v34 =	vsel vm3, v34, v42;
	v14 =	vsel vm1, v14, v16;
	v56 =	vadd.s32 $0x1E, v47;
	v55 =	vld.idx.msk [tilespmem:v47+s1+$0x0], $0xffff  }
0x1b9: {  	v13 =	vsel vm0, v13, v15;
	v14 =	vcvt.s32.f32 v14;
	v46 =	vadd.s32 v52, v46;
	v16 =	vld.idx.msk [tilespmem:v60+s1+$0x0], $0xffff  }
0x1ba: {  	v12 =	vimm.s32 $0x400;
	v17 =	vsel vm2, v18, v17;
	v13 =	vcvt.s32.f32 v13;
	v48 =	vld.idx.msk [tilespmem:v48+s1+$0x0], $0xffff  }
0x1bb: {  	v17 =	vcvt.s32.f32 v17;
	v14 =	vsub.f32 $2.000000000e+03, v14;
	v42 =	vadd.s32 $0xA, v40;
	v61 =	vld.idx.msk [tilespmem:v40+s1+$0x0], $0xffff  }
0x1bc: {  	v13 =	vsub.f32 $2.000000000e+03, v13;
	v52 =	vadd.s32 $0xA, v46;
	v53 =	vadd.s32 $0x14, v40;
	v0 =	vld.idx.msk [tilespmem:v1+s1+$0x0], $0xffff  }
0x1bd: {  	v54 =	vadd.s32 $0x14, v46;
	v58 =	vadd.s32 $0x1E, v40;
	v59 =	vadd.s32 $0x1E, v46;
	v56 =	vld.idx.msk [tilespmem:v56+s1+$0x0], $0xffff  }
0x1be: {  	v62 =	vadd.s32 $0x28, v40;
	v63 =	vadd.s32 $0x28, v46;
	v40 =	vadd.s32 $0x28, v47;
	v46 =	vld.idx.msk [tilespmem:v46+s1+$0x0], $0xffff  }
0x1bf: {  	v39 =	vadd.s32 $0xA, v45;
	v57 =	vadd.s32 $0x14, v45;
	v47 =	vadd.s32 $0x28, v45;
	v45 =	vld.idx.msk [tilespmem:v45+s1+$0x0], $0xffff  }
0x1c0: {  	vm5 =	vlt.f32 v51, v7;
	v37 =	vadd.s32 v20, v19;
	v4 =	vadd.s32 v36, v35;
	v3 =	vld.idx.msk [tilespmem:v42+s1+$0x0], $0xffff  }
0x1c1: {  	v2 =	vadd.s32 $0x1, v50;
	vm4 =	vlt.f32 v49, v6;
	v49 =	vld.idx.msk [tilespmem:v53+s1+$0x0], $0xffff;
	vm3 =	vlt.f32 v38, v8  }
0x1c2: {  	v24 =	vsel vm4, v33, v24;
	v23 =	vsel vm4, v23, v29;
	v44 =	vsel vm3, v44, v50;
	v50 =	vld.idx.msk [tilespmem:v52+s1+$0x0], $0xffff  }
0x1c3: {  	v42 =	vadd.s32 v34, v31;
	v38 =	vshrl.u32 v37, $0x1;
	v48 =	vadd.f32 v48, v55;
	v52 =	vld.idx.msk [tilespmem:v40+s1+$0x0], $0xffff  }
0x1c4: {  	v37 =	vshrl.u32 v42, $0x1;
	v2 =	vsel vm3, v2, v43;
	v40 =	vshrl.u32 v4, $0x1;
	v55 =	vld.idx.msk [tilespmem:v39+s1+$0x0], $0xffff  }
0x1c5: {  	v18 =	vld.idx.msk [tilespmem:v62+s1+$0x0], $0xffff;
	v39 =	vadd.s32 $0x1, v38;
	v1 =	vadd.s32 v44, v2;
	v0 =	vadd.f32 v0, v48  }
0x1c6: {  	v43 =	vadd.s32 $0x1, v37;
	vm3 =	vlt.f32 v41, v5;
	v4 =	vshrl.u32 v1, $0x1;
	v1 =	vld.idx.msk [tilespmem:v12+s8+$0x0], $0xffff  }
0x1c7: {  	v62 =	vld [tilespmem:$0x1FFF0];
	v42 =	vadd.s32 $0x1, v40;
	v3 =	vadd.f32 v3, v61;
	v0 =	vadd.f32 v56, v0  }
0x1c8: {  	v32 =	vsel vm3, v32, v22;
	v28 =	vsel vm3, v21, v28;
	v21 =	vsel vm5, v30, v25;
	v61 =	vld.idx.msk [tilespmem:v54+s1+$0x0], $0xffff  }
0x1c9: {  	v22 =	vsel vm5, v26, v27;
	v45 =	vadd.f32 v55, v45;
	v55 =	vld [tilespmem:$0x1FFE0];
	v41 =	vadd.f32 v52, v0  }
0x1ca: {  	v25 =	vadd.s32 v23, v24;
	v54 =	vimm.s32 $0x200;
	v29 =	vadd.s32 v22, v21;
	v0 =	vld.idx.msk [tilespmem:v57+s1+$0x0], $0xffff  }
0x1cb: {  	v26 =	vshrl.u32 v25, $0x1;
	v25 =	vshrl.u32 v29, $0x1;
	v48 =	vld.idx.msk [tilespmem:v4+s8+$0x0], $0xffff;
	vm3 =	vlt.f32 v1, v41  }
0x1cc: {  	v56 =	vadd.s32 v28, v32;
	v46 =	vadd.f32 v50, v46;
	v52 =	vld.idx.msk [tilespmem:v58+s1+$0x0], $0xffff;
	v50 =	vsel vm3, $0x600, v54  }
0x1cd: {  	v33 =	vadd.s32 $0x1, v26;
	v3 =	vadd.f32 v49, v3;
	v27 =	vshrl.u32 v56, $0x1;
	v56 =	vld.idx.msk [tilespmem:v59+s1+$0x0], $0xffff  }
0x1ce: {  	v29 =	vadd.s32 $0x1, v25;
	v59 =	vld.idx.msk [tilespmem:v63+s1+$0x0], $0xffff;
	v63 =	vimm.s32 $0x0;
	[tilespmem:$0x1FFE0] =	vst v13;
	v13 =	vmul.f32 v14, v62  }
0x1cf: {  	v30 =	vadd.s32 $0x1, v27;
	v57 =	vadd.s32 $0x1, v4;
	v58 =	vadd.f32 v61, v46  }
0x1d0: {  	v47 =	vld.idx.msk [tilespmem:v47+s1+$0x0], $0xffff;
	v49 =	vmul.f32 v55, v62;
	v0 =	vadd.f32 v0, v45;
	vm1 =	vlt.f32 v48, v8  }
0x1d1: {  	v3 =	vadd.f32 v52, v3;
	v2 =	vsel vm1, v57, v2;
	v4 =	vsel vm1, v44, v4;
	v15 =	vld.idx.msk [tilespmem:v50+s8+$0x0], $0xffff  }
0x1d2: {  	v44 =	vadd.f32 v56, v58;
	v0 =	vadd.f32 v16, v0;
	v48 =	vadd.s32 v4, v2  }
0x1d3: {  	v16 =	vsub.f32 $2.000000000e+03, v17;
	v18 =	vadd.f32 v18, v3;
	v45 =	vshrl.u32 v48, $0x1  }
0x1d4: {  	v3 =	vld.idx.msk [tilespmem:v40+s8+$0x0], $0xffff;
	v57 =	vsel vm3, $0x401, v63;
	v58 =	vor.u32 $0x1, v50;
	v14 =	vadd.f32 v59, v44  }
0x1d5: {  	[tilespmem:s13+$0xFFFFFFE0] =	vst v49;
	s13 =	smov.u32 s11;
	v48 =	vld.idx.msk [tilespmem:v38+s8+$0x0], $0xffff;
	v17 =	vmul.f32 v16, v62;
	vm0 =	vlt.f32 v1, v18;
	v16 =	vsel vm3, $0x800, v12  }
0x1d6: {  	vm1 =	vlt.f32 v15, v41;
	v15 =	vld.idx.msk [tilespmem:v27+s8+$0x0], $0xffff;
	[tilespmem:s13+$0xFFFFFFF0] =	vst v13;
	v13 =	vadd.f32 v47, v0;
	v47 =	vsel vm0, $0x600, v54  }
0x1d7: {  	v50 =	vsel vm1, v16, v50;
	v0 =	vsel vm1, v58, v57;
	vm1 =	vlt.f32 v1, v14  }
0x1d8: {  	v56 =	vld.idx.msk [tilespmem:v45+s8+$0x0], $0xffff;
	v55 =	vor.u32 $0x1, v47;
	v58 =	vsel vm0, $0x401, v63;
	v59 =	vadd.s32 $0xFFFFFFFF, v50  }
0x1d9: {  	vm2 =	vlt.f32 v1, v13;
	v46 =	vsel vm1, $0x600, v54;
	v53 =	vsel vm1, $0x800, v12  }
0x1da: {  	v49 =	vxor.u32 v59, v0;
	v60 =	vor.u32 v59, v0;
	v44 =	vsel vm2, $0x600, v54  }
0x1db: {  	v51 =	vld.idx.msk [tilespmem:v37+s8+$0x0], $0xffff;
	v57 =	vsel vm2, $0x401, v63;
	v59 =	vsel vm1, $0x401, v63;
	v61 =	vshrl.u32 v49, $0x1  }
0x1dc: {  	vm1 =	vlt.f32 v48, v9;
	v49 =	vadd.s32 $0x1, v45;
	v1 =	vsub.s32 v60, v61  }
0x1dd: {  	v54 =	vor.u32 $0x1, v44;
	v39 =	vsel vm1, v39, v19;
	vm3 =	vlt.f32 v56, v8  }
0x1de: {  	v38 =	vsel vm1, v20, v38;
	v52 =	vld.idx.msk [tilespmem:v47+s8+$0x0], $0xffff;
	v2 =	vsel vm3, v49, v2;
	v4 =	vsel vm3, v4, v45  }
0x1df: {  	v16 =	vld.idx.msk [tilespmem:v26+s8+$0x0], $0xffff;
	[tilespmem:s13+$0x0] =	vst v17;
	v45 =	vsel vm0, $0x800, v12;
	v49 =	vsel vm2, $0x800, v12;
	v4 =	vadd.s32 v4, v2  }
0x1e0: {  	v61 =	vld.idx.msk [tilespmem:v46+s8+$0x0], $0xffff;
	vm0 =	vlt.f32 v3, v11;
	vm2 =	vlt.f32 v51, v10;
	v4 =	vshrl.u32 v4, $0x1  }
0x1e1: {  	v56 =	vor.u32 $0x1, v46;
	v31 =	vsel vm2, v43, v31;
	v19 =	vsel vm0, v42, v35;
	v60 =	vld.idx.msk [tilespmem:v1+s8+$0x0], $0xffff  }
0x1e2: {  	v20 =	vsel vm0, v36, v40;
	v34 =	vsel vm2, v34, v37;
	v36 =	vadd.s32 v38, v39  }
0x1e3: {  	v37 =	vadd.s32 v34, v31;
	v40 =	vadd.s32 v20, v19;
	vm0 =	vlt.f32 v52, v18  }
0x1e4: {  	v3 =	vld.idx.msk [tilespmem:v44+s8+$0x0], $0xffff;
	v36 =	vshrl.u32 v36, $0x1;
	v52 =	vshrl.u32 v40, $0x1;
	v43 =	vsel vm0, v45, v47  }
0x1e5: {  	v42 =	vsel vm0, v55, v58;
	v45 =	vadd.s32 $0xFFFFFFFF, v43;
	vm1 =	vlt.f32 v61, v14;
	v51 =	vld.idx.msk [tilespmem:v4+s8+$0x0], $0xffff  }
0x1e6: {  	v35 =	vsel vm1, v53, v46;
	vm0 =	vlt.f32 v60, v41;
	v60 =	vor.u32 $0x1, v1  }
0x1e7: {  	v53 =	vadd.s32 $0x1, v36;
	v0 =	vsel vm0, v60, v0;
	v1 =	vsel vm0, v50, v1  }
0x1e8: {  	v4 =	vadd.s32 $0x1, v4;
	v61 =	vadd.s32 $0xFFFFFFFF, v35;
	v47 =	vxor.u32 v1, v0  }
0x1e9: {  	vm0 =	vlt.f32 v3, v13;
	v3 =	vand.u32 v1, v0;
	v47 =	vshrl.u32 v47, $0x1  }
0x1ea: {  	vm2 =	vlt.f32 v51, v8;
	v3 =	vadd.s32 v47, v3;
	v47 =	vsel vm1, v56, v59  }
0x1eb: {  	v59 =	vlaneseq.u32;
	v56 =	vxor.u32 v45, v42;
	v45 =	vor.u32 v45, v42  }
0x1ec: {  	v2 =	vsel vm2, v4, v2;
	v4 =	vsel vm0, v49, v44;
	v44 =	vsel vm0, v54, v57  }
0x1ed: {  	v8 =	vmovc v41;
	v57 =	vxor.u32 v61, v47;
	v48 =	vshrl.u32 v56, $0x1;
	v41 =	vor.u32 v61, v47  }
0x1ee: {  	v54 =	vshrl.u32 v37, $0x1;
	vm0 =	vlt.f32 v15, v5;
	v15 =	vadd.s32 $0x1, v3  }
0x1ef: {  	vm2 =	vlt.f32 v16, v6;
	v2 =	vcvt.s32.f32 v2;
	v55 =	vadd.s32 $0xFFFFFFFF, v4;
	v51 =	vld.idx.msk [tilespmem:v3+s8+$0x0], $0xffff  }
0x1f0: {  	v49 =	vshrl.u32 v57, $0x1;
	v45 =	vsub.s32 v45, v48;
	v58 =	vxor.u32 v55, v44  }
0x1f1: {  	v46 =	vor.u32 v55, v44;
	v49 =	vsub.s32 v41, v49;
	v50 =	vshrl.u32 v58, $0x1  }
0x1f2: {  	v17 =	vld.idx.msk [tilespmem:v25+s8+$0x0], $0xffff;
	v56 =	vadd.s32 $0x1, v54;
	v2 =	vsub.f32 $2.000000000e+03, v2;
	v46 =	vsub.s32 v46, v50  }
0x1f3: {  	v16 =	vsel vm0, v30, v32;
	v27 =	vsel vm0, v28, v27;
	v23 =	vsel vm2, v23, v26  }
0x1f4: {  	v48 =	vor.u32 $0x1, v45;
	v2 =	vmul.f32 v2, v62;
	vm1 =	vlt.f32 v51, v8  }
0x1f5: {  	s11 =	smov.u32 s12;
	s12 =	sadd.s32 $0x40, s12;
	v55 =	vadd.s32 $0x1, v52;
	v61 =	vld.idx.msk [tilespmem:v45+s8+$0x0], $0xffff;
	v0 =	vsel vm1, v15, v0;
	v1 =	vsel vm1, v1, v3  }
0x1f6: {  	v60 =	vor.u32 $0x1, v49;
	[tilespmem:s12+$0x10] =	vst v2;
	v2 =	vor.u32 $0x1, v46;
	v62 =	vld.idx.msk [tilespmem:v49+s8+$0x0], $0xffff;
	v15 =	vadd.s32 v1, v0  }
0x1f7: {  	vm1 =	vlt.f32 v17, v7;
	v3 =	vld.idx.msk [tilespmem:v46+s8+$0x0], $0xffff;
	v17 =	vsel vm2, v33, v24;
	v28 =	vshrl.u32 v15, $0x1  }
0x1f8: {  	v15 =	vsel vm1, v29, v21;
	v21 =	vsel vm1, v22, v25;
	v22 =	vadd.s32 v27, v16  }
0x1f9: {  	v21 =	vadd.s32 v21, v15;
	v37 =	vshrl.u32 v22, $0x1;
	v22 =	vadd.s32 v23, v17  }
0x1fa: {  	v24 =	vld.idx.msk [tilespmem:v54+s8+$0x0], $0xffff;
	vm0 =	vlt.f32 v61, v18;
	v40 =	vshrl.u32 v21, $0x1;
	v41 =	vshrl.u32 v22, $0x1  }
0x1fb: {  	v21 =	vsel vm0, v48, v42;
	v22 =	vsel vm0, v43, v45;
	vm0 =	vlt.f32 v62, v14  }
0x1fc: {  	v25 =	vld.idx.msk [tilespmem:v52+s8+$0x0], $0xffff;
	vm1 =	vlt.f32 v3, v13;
	v3 =	vsel vm0, v60, v47;
	v23 =	vsel vm0, v35, v49  }
0x1fd: {  	v27 =	vxor.u32 v22, v21;
	v49 =	vand.u32 v22, v21;
	v2 =	vsel vm1, v2, v44  }
0x1fe: {  	v4 =	vsel vm1, v4, v46;
	v27 =	vshrl.u32 v27, $0x1;
	v48 =	vxor.u32 v23, v3  }
0x1ff: {  	v51 =	vand.u32 v23, v3;
	vm1 =	vlt.f32 v24, v10;
	v29 =	vxor.u32 v4, v2  }
0x200: {  	v26 =	vld.idx.msk [tilespmem:v28+s8+$0x0], $0xffff;
	v32 =	vshrl.u32 v48, $0x1;
	v50 =	vand.u32 v4, v2;
	v27 =	vadd.s32 v27, v49  }
0x201: {  	v30 =	vld.idx.msk [tilespmem:v36+s8+$0x0], $0xffff;
	vm2 =	vlt.f32 v25, v11;
	v31 =	vsel vm1, v56, v31;
	v32 =	vadd.s32 v32, v51  }
0x202: {  	v48 =	vsel vm1, v34, v54;
	v29 =	vshrl.u32 v29, $0x1;
	v58 =	vadd.s32 $0x1, v27  }
0x203: {  	v33 =	vld.idx.msk [tilespmem:v37+s8+$0x0], $0xffff;
	v19 =	vsel vm2, v55, v19;
	v20 =	vsel vm2, v20, v52;
	v29 =	vadd.s32 v29, v50  }
0x204: {  	v46 =	vadd.s32 v48, v31;
	v42 =	vld.idx.msk [tilespmem:v41+s8+$0x0], $0xffff;
	v35 =	vadd.s32 $0x1, v32;
	v62 =	vadd.s32 v20, v19  }
0x205: {  	v50 =	vshrl.u32 v62, $0x1;
	vm0 =	vlt.f32 v26, v8;
	v26 =	vadd.s32 $0x1, v28;
	v24 =	vld.idx.msk [tilespmem:v27+s8+$0x0], $0xffff  }
0x206: {  	v0 =	vsel vm0, v26, v0;
	v1 =	vsel vm0, v1, v28;
	vm0 =	vlt.f32 v30, v9;
	v28 =	vld.idx.msk [tilespmem:v32+s8+$0x0], $0xffff  }
0x207: {  	v57 =	vld.idx.msk [tilespmem:v40+s8+$0x0], $0xffff;
	v26 =	vadd.s32 v1, v0;
	v25 =	vsel vm0, v53, v39;
	v30 =	vsel vm0, v38, v36  }
0x208: {  	v52 =	vshrl.u32 v46, $0x1;
	v61 =	vld.idx.msk [tilespmem:v29+s8+$0x0], $0xffff;
	v26 =	vshrl.u32 v26, $0x1;
	v36 =	vadd.s32 v30, v25  }
0x209: {  	v60 =	vadd.s32 $0x1, v29;
	vm1 =	vlt.f32 v33, v5;
	v5 =	vmovc v9;
	v9 =	vmovc v18;
	v49 =	vshrl.u32 v36, $0x1  }
0x20a: {  	v54 =	vadd.s32 $0x1, v52;
	v53 =	vadd.s32 $0x1, v50;
	vm3 =	vlt.f32 v24, v9  }
0x20b: {  	v55 =	vsel vm3, v58, v21;
	v56 =	vsel vm3, v22, v27;
	vm3 =	vlt.f32 v28, v14  }
0x20c: {  	vm0 =	vlt.f32 v57, v7;
	vm2 =	vlt.f32 v42, v6;
	v34 =	vsel vm3, v23, v32;
	v23 =	vld.idx.msk [tilespmem:v50+s8+$0x0], $0xffff  }
0x20d: {  	v51 =	vadd.s32 $0x1, v49;
	vm4 =	vlt.f32 v61, v13;
	v39 =	vsel vm3, v35, v3;
	v47 =	vld.idx.msk [tilespmem:v26+s8+$0x0], $0xffff  }
0x20e: {  	v35 =	vsel vm4, v60, v2;
	v36 =	vsel vm4, v4, v29;
	v60 =	vadd.s32 v56, v55;
	v3 =	vld.idx.msk [tilespmem:v49+s8+$0x0], $0xffff  }
0x20f: {  	v6 =	vmovc v10;
	v10 =	vmovc v14;
	v18 =	vadd.s32 v34, v39;
	v14 =	vadd.s32 v36, v35;
	v2 =	vshrl.u32 v60, $0x1  }
0x210: {  	v4 =	vld.idx.msk [tilespmem:v52+s8+$0x0], $0xffff;
	v42 =	vshrl.u32 v18, $0x1;
	v18 =	vadd.s32 $0x1, v26;
	v38 =	vshrl.u32 v14, $0x1  }
0x211: {  	v7 =	vmovc v11;
	v61 =	vadd.s32 $0x1, v2;
	v14 =	vadd.s32 $0x1, v37;
	v45 =	vadd.s32 $0x1, v38  }
0x212: {  	vm4 =	vlt.f32 v23, v7;
	vm3 =	vlt.f32 v47, v8;
	v47 =	vadd.s32 $0x1, v42  }
0x213: {  	v43 =	vsel vm3, v18, v0;
	v44 =	vsel vm3, v1, v26;
	vm3 =	vlt.f32 v3, v5  }
0x214: {  	v26 =	vsel vm4, v20, v50;
	v18 =	vadd.s32 $0x1, v41;
	v1 =	vadd.s32 v44, v43  }
0x215: {  	s14 =	sadd.s32 $0x4, s14;
	v62 =	vld.idx.msk [tilespmem:v2+s8+$0x0], $0xffff;
	v22 =	vsel vm3, v51, v25;
	v21 =	vsel vm3, v30, v49;
	vm3 =	vlt.f32 v4, v6  }
0x216: {  	p0 =	slt.u32 s14, $0x4C;
	v3 =	vld.idx.msk [tilespmem:v42+s8+$0x0], $0xffff;
	v25 =	vsel vm4, v53, v19;
	v46 =	vshrl.u32 v1, $0x1;
	v24 =	vsel vm3, v54, v31  }
.Ltmp0:
0x217: {  	v11 =	vmovc v13;
	v23 =	vsel vm3, v48, v52;
	v4 =	vadd.s32 v21, v22;
	v13 =	vadd.s32 v26, v25;
	(pc) =	sbr.rel @p0 .LBB2_2-.Ltmp0, $4  }
0x218: {  	v28 =	vshrl.u32 v4, $0x1;
	v4 =	vadd.s32 v23, v24;
	v27 =	vshrl.u32 v13, $0x1  }
0x219: {  	v13 =	vadd.s32 $0x1, v40;
	v32 =	vadd.s32 $0x1, v28;
	v29 =	vshrl.u32 v4, $0x1  }
0x21a: {  	v49 =	vld.idx.msk [tilespmem:v38+s8+$0x0], $0xffff;
	v30 =	vadd.s32 $0x1, v27;
	v33 =	vadd.s32 $0x1, v29;
	vm3 =	vlt.f32 v62, v9  }
0x21b: {  	s15 =	sadd.s32 $0x40, s15;
	v19 =	vsel vm3, v61, v55;
	v20 =	vsel vm3, v56, v2;
	vm3 =	vlt.f32 v3, v10;
	v48 =	vld.idx.msk [tilespmem:v46+s8+$0x0], $0xffff  }
0x21c: {  	_ = 	snop  }
0x21d: {  	v3 =	vadd.s32 v20, v19  }
0x21e: {  	v0 =	vsel vm3, v47, v39;
	v1 =	vsel vm3, v34, v42;
	v3 =	vshrl.u32 v3, $0x1  }
0x21f: {  	v31 =	vadd.s32 v1, v0;
	vm4 =	vlt.f32 v49, v11  }
0x220: {  	v31 =	vshrl.u32 v31, $0x1;
	v2 =	vsel vm4, v45, v35;
	v4 =	vsel vm4, v36, v38  }
0x221: {  	v45 =	vadd.s32 v4, v2  }
0x222: {  	v34 =	vshrl.u32 v45, $0x1  }
0x223: {  	v47 =	vld.idx.msk [tilespmem:v3+s8+$0x0], $0xffff;
	_ =	sdelay $0x1  }
0x224: {  	v49 =	vld.idx.msk [tilespmem:v31+s8+$0x0], $0xffff  }
0x225: {  	v37 =	vadd.s32 $0x1, v46  }
0x226: {  	v52 =	vadd.s32 $0x1, v3;
	v53 =	vadd.s32 $0x1, v31;
	vm14 =	vlt.f32 v48, v8;
	v50 =	vld.idx.msk [tilespmem:v34+s8+$0x0], $0xffff  }
0x227: {  	v37 =	vsel vm14, v37, v43;
	v51 =	vsel vm14, v44, v46;
	vm8 =	vlt.f32 v47, v9  }
0x228: {  	v40 =	vadd.s32 v51, v37;
	v54 =	vsel vm8, v52, v19;
	v3 =	vsel vm8, v20, v3  }
0x229: {  	v40 =	vshrl.u32 v40, $0x1;
	vm5 =	vlt.f32 v49, v10;
	v20 =	vadd.s32 v3, v54  }
0x22a: {  	v0 =	vsel vm5, v53, v0;
	v1 =	vsel vm5, v1, v31;
	v20 =	vshrl.u32 v20, $0x1  }
0x22b: {  	v41 =	vadd.s32 $0x1, v34;
	v31 =	vadd.s32 v1, v0;
	vm15 =	vlt.f32 v50, v11  }
0x22c: {  	v31 =	vshrl.u32 v31, $0x1;
	v2 =	vsel vm15, v41, v2;
	v4 =	vsel vm15, v4, v34  }
0x22d: {  	v34 =	vadd.s32 v4, v2  }
0x22e: {  	v55 =	vld.idx.msk [tilespmem:v40+s8+$0x0], $0xffff;
	v34 =	vshrl.u32 v34, $0x1  }
0x22f: {  	v56 =	vld.idx.msk [tilespmem:v20+s8+$0x0], $0xffff;
	_ =	sdelay $0x1  }
0x230: {  	v57 =	vld.idx.msk [tilespmem:v31+s8+$0x0], $0xffff  }
0x231: {  	v58 =	vadd.s32 $0x1, v40  }
0x232: {  	v62 =	vadd.s32 $0x1, v20;
	v45 =	vadd.s32 $0x1, v31;
	vm9 =	vlt.f32 v55, v8;
	v60 =	vld.idx.msk [tilespmem:v34+s8+$0x0], $0xffff  }
0x233: {  	v35 =	vsel vm9, v58, v37;
	v61 =	vsel vm9, v51, v40;
	vm10 =	vlt.f32 v56, v9  }
0x234: {  	v39 =	vadd.s32 v61, v35;
	v19 =	vsel vm10, v62, v54;
	v3 =	vsel vm10, v3, v20  }
0x235: {  	v39 =	vshrl.u32 v39, $0x1;
	vm11 =	vlt.f32 v57, v10;
	v20 =	vadd.s32 v3, v19  }
0x236: {  	v0 =	vsel vm11, v45, v0;
	v1 =	vsel vm11, v1, v31;
	v20 =	vshrl.u32 v20, $0x1  }
0x237: {  	v12 =	vadd.s32 $0x1, v34;
	v31 =	vadd.s32 v1, v0;
	vm12 =	vlt.f32 v60, v11  }
0x238: {  	v31 =	vshrl.u32 v31, $0x1;
	v2 =	vsel vm12, v12, v2;
	v4 =	vsel vm12, v4, v34  }
0x239: {  	v55 =	vld.idx.msk [tilespmem:v28+s8+$0x0], $0xffff;
	v47 =	vadd.s32 v4, v2  }
0x23a: {  	v46 =	vld.idx.msk [tilespmem:v39+s8+$0x0], $0xffff;
	v36 =	vshrl.u32 v47, $0x1  }
0x23b: {  	v14 =	vsel vm1, v14, v16;
	v13 =	vsel vm0, v13, v15;
	v48 =	vld.idx.msk [tilespmem:v20+s8+$0x0], $0xffff  }
0x23c: {  	v14 =	vcvt.s32.f32 v14;
	v13 =	vcvt.s32.f32 v13  }
0x23d: {  	v50 =	vld.idx.msk [tilespmem:v31+s8+$0x0], $0xffff  }
0x23e: {  	v14 =	vsub.f32 $2.000000000e+03, v14;
	v13 =	vsub.f32 $2.000000000e+03, v13;
	v49 =	vadd.s32 $0x1, v39  }
0x23f: {  	vm8 =	vlt.f32 v55, v5;
	v53 =	vadd.s32 $0x1, v20;
	vm13 =	vlt.f32 v46, v8;
	v52 =	vld.idx.msk [tilespmem:v36+s8+$0x0], $0xffff  }
0x240: {  	v34 =	vsel vm13, v49, v35;
	v51 =	vsel vm13, v61, v39;
	vm14 =	vlt.f32 v48, v9  }
0x241: {  	v58 =	vld.idx.msk [tilespmem:v27+s8+$0x0], $0xffff;
	v39 =	vadd.s32 v51, v34;
	v19 =	vsel vm14, v53, v19;
	v3 =	vsel vm14, v3, v20  }
0x242: {  	v57 =	vld.idx.msk [tilespmem:v29+s8+$0x0], $0xffff;
	v39 =	vshrl.u32 v39, $0x1;
	vm15 =	vlt.f32 v50, v10;
	v60 =	vadd.s32 v3, v19  }
0x243: {  	v56 =	vadd.s32 $0x1, v31;
	v1 =	vsel vm15, v1, v31;
	v31 =	vshrl.u32 v60, $0x1  }
0x244: {  	v54 =	vadd.s32 $0x1, v36;
	v0 =	vsel vm15, v56, v0;
	vm7 =	vlt.f32 v52, v11  }
0x245: {  	v61 =	vadd.s32 v1, v0;
	v2 =	vsel vm7, v54, v2;
	v4 =	vsel vm7, v4, v36  }
0x246: {  	v21 =	vsel vm8, v21, v28;
	v36 =	vshrl.u32 v61, $0x1;
	v62 =	vadd.s32 v4, v2  }
0x247: {  	vm10 =	vlt.f32 v58, v7;
	vm9 =	vlt.f32 v57, v6;
	v12 =	vld.idx.msk [tilespmem:v39+s8+$0x0], $0xffff;
	v37 =	vshrl.u32 v62, $0x1  }
0x248: {  	v26 =	vsel vm10, v26, v27;
	v23 =	vsel vm9, v23, v29;
	v20 =	vsel vm8, v32, v22;
	v42 =	vld.idx.msk [tilespmem:v31+s8+$0x0], $0xffff  }
0x249: {  	v45 =	vadd.s32 $0x1, v39;
	v22 =	vsel vm9, v33, v24;
	v43 =	vadd.s32 v21, v20  }
0x24a: {  	v24 =	vsel vm10, v30, v25;
	v29 =	vadd.s32 v23, v22;
	v27 =	vshrl.u32 v43, $0x1  }
0x24b: {  	v48 =	vadd.s32 v26, v24;
	v29 =	vshrl.u32 v29, $0x1;
	v49 =	vadd.s32 $0x1, v31;
	v44 =	vld.idx.msk [tilespmem:v36+s8+$0x0], $0xffff  }
0x24c: {  	v57 =	vadd.s32 $0x1, v27;
	v58 =	vadd.s32 $0x1, v29;
	vm11 =	vlt.f32 v12, v8;
	v46 =	vld.idx.msk [tilespmem:v37+s8+$0x0], $0xffff  }
0x24d: {  	v30 =	vsel vm11, v45, v34;
	v34 =	vshrl.u32 v48, $0x1;
	vm12 =	vlt.f32 v42, v9  }
0x24e: {  	v61 =	vsel vm2, v18, v17;
	v19 =	vsel vm12, v49, v19;
	v3 =	vsel vm12, v3, v31  }
0x24f: {  	v47 =	vsel vm11, v51, v39;
	v51 =	vadd.s32 $0x1, v36;
	v52 =	vld.idx.msk [tilespmem:v27+s8+$0x0], $0xffff;
	v31 =	vadd.s32 v3, v19  }
0x250: {  	v53 =	vld.idx.msk [tilespmem:v29+s8+$0x0], $0xffff;
	v50 =	vadd.s32 $0x1, v37;
	vm13 =	vlt.f32 v44, v10;
	v31 =	vshrl.u32 v31, $0x1  }
0x251: {  	v0 =	vsel vm13, v51, v0;
	v1 =	vsel vm13, v1, v36;
	vm14 =	vlt.f32 v46, v11  }
0x252: {  	v54 =	vld.idx.msk [tilespmem:v34+s8+$0x0], $0xffff;
	v55 =	vadd.s32 v1, v0;
	v2 =	vsel vm14, v50, v2;
	v4 =	vsel vm14, v4, v37  }
0x253: {  	v33 =	vadd.s32 v47, v30;
	v35 =	vshrl.u32 v55, $0x1;
	v56 =	vadd.s32 v4, v2  }
0x254: {  	v60 =	vadd.s32 $0x1, v34;
	vm15 =	vlt.f32 v52, v5;
	v36 =	vshrl.u32 v56, $0x1  }
0x255: {  	v33 =	vshrl.u32 v33, $0x1;
	vm4 =	vlt.f32 v53, v6;
	v41 =	vsel vm15, v57, v20;
	v40 =	vld.idx.msk [tilespmem:v31+s8+$0x0], $0xffff  }
0x256: {  	v42 =	vsel vm15, v21, v27;
	v43 =	vsel vm4, v58, v22;
	v23 =	vsel vm4, v23, v29  }
0x257: {  	v20 =	vadd.s32 v42, v41;
	v23 =	vadd.s32 v23, v43;
	vm5 =	vlt.f32 v54, v7  }
0x258: {  	v20 =	vshrl.u32 v20, $0x1;
	v24 =	vsel vm5, v60, v24;
	v26 =	vsel vm5, v26, v34;
	v44 =	vld.idx.msk [tilespmem:v35+s8+$0x0], $0xffff  }
0x259: {  	v16 =	vcvt.s32.f32 v61;
	v23 =	vshrl.u32 v23, $0x1;
	v26 =	vadd.s32 v26, v24;
	v45 =	vld.idx.msk [tilespmem:v36+s8+$0x0], $0xffff  }
0x25a: {  	v12 =	vld [tilespmem:$0x1FFE0];
	v48 =	vadd.s32 $0x1, v31;
	v47 =	vshrl.u32 v26, $0x1;
	vm7 =	vlt.f32 v40, v9  }
0x25b: {  	v16 =	vsub.f32 $2.000000000e+03, v16;
	v62 =	vld.idx.msk [tilespmem:v33+s8+$0x0], $0xffff;
	v19 =	vsel vm7, v48, v19;
	v3 =	vsel vm7, v3, v31  }
0x25c: {  	v54 =	vld [tilespmem:$0x1FFF0];
	v46 =	vadd.s32 $0x1, v33;
	v49 =	vadd.s32 $0x1, v35;
	v3 =	vadd.s32 v3, v19  }
0x25d: {  	v51 =	vld.idx.msk [tilespmem:v20+s8+$0x0], $0xffff;
	v50 =	vadd.s32 $0x1, v36;
	vm8 =	vlt.f32 v44, v10;
	v3 =	vshrl.u32 v3, $0x1  }
0x25e: {  	v52 =	vld.idx.msk [tilespmem:v23+s8+$0x0], $0xffff;
	v0 =	vsel vm8, v49, v0;
	v1 =	vsel vm8, v1, v35;
	vm9 =	vlt.f32 v45, v11  }
0x25f: {  	v53 =	vld.idx.msk [tilespmem:v47+s8+$0x0], $0xffff;
	v1 =	vadd.s32 v1, v0;
	v2 =	vsel vm9, v50, v2;
	v4 =	vsel vm9, v4, v36  }
0x260: {  	vm6 =	vlt.f32 v62, v8;
	v1 =	vshrl.u32 v1, $0x1;
	v4 =	vadd.s32 v4, v2  }
0x261: {  	v58 =	vadd.s32 $0x1, v23;
	v8 =	vsel vm6, v46, v30;
	v4 =	vshrl.u32 v4, $0x1  }
0x262: {  	v55 =	vadd.s32 $0x1, v20;
	v8 =	vcvt.s32.f32 v8;
	v57 =	vadd.s32 $0x1, v47  }
0x263: {  	v12 =	vmul.f32 v12, v54;
	v14 =	vmul.f32 v14, v54;
	vm10 =	vlt.f32 v51, v5  }
0x264: {  	vm12 =	vlt.f32 v52, v6;
	v5 =	vsel vm10, v55, v41;
	vm11 =	vlt.f32 v53, v7;
	v56 =	vld.idx.msk [tilespmem:v3+s8+$0x0], $0xffff  }
0x265: {  	v15 =	vsel vm12, v58, v43;
	v5 =	vcvt.s32.f32 v5;
	v7 =	vsel vm11, v57, v24;
	v61 =	vld.idx.msk [tilespmem:v1+s8+$0x0], $0xffff  }
0x266: {  	v8 =	vsub.f32 $2.000000000e+03, v8;
	v15 =	vcvt.s32.f32 v15;
	v7 =	vcvt.s32.f32 v7;
	v60 =	vld.idx.msk [tilespmem:v4+s8+$0x0], $0xffff  }
0x267: {  	v16 =	vmul.f32 v16, v54;
	v13 =	vmul.f32 v13, v54;
	v5 =	vsub.f32 $2.000000000e+03, v5  }
0x268: {  	v8 =	vmul.f32 v8, v54;
	v15 =	vsub.f32 $2.000000000e+03, v15;
	v7 =	vsub.f32 $2.000000000e+03, v7  }
0x269: {  	[tilespmem:s13+$0xFFFFFFE0] =	vst v12;
	v3 =	vadd.s32 $0x1, v3;
	v1 =	vadd.s32 $0x1, v1;
	vm13 =	vlt.f32 v56, v9  }
0x26a: {  	[tilespmem:s11+$0xFFFFFFF0] =	vst v14;
	v4 =	vadd.s32 $0x1, v4;
	v3 =	vsel vm13, v3, v19;
	vm15 =	vlt.f32 v61, v10  }
0x26b: {  	[tilespmem:s11+$0x0] =	vst v16;
	v0 =	vsel vm15, v1, v0;
	v1 =	vcvt.s32.f32 v3;
	vm14 =	vlt.f32 v60, v11  }
0x26c: {  	s31 =	sadd.s32 $0x40, s12;
	[tilespmem:s11+$0xFFFFFFE0] =	vst v13;
	v3 =	vmul.f32 v5, v54;
	v0 =	vcvt.s32.f32 v0;
	v2 =	vsel vm14, v4, v2  }
0x26d: {  	[tilespmem:s31+$0x10] =	vst v8;
	v62 =	vmul.f32 v15, v54;
	v1 =	vsub.f32 $2.000000000e+03, v1;
	v2 =	vcvt.s32.f32 v2  }
0x26e: {  	[tilespmem:s12+$0xFFFFFFF0] =	vst v3;
	v3 =	vmul.f32 v7, v54;
	v0 =	vsub.f32 $2.000000000e+03, v0  }
0x26f: {  	[tilespmem:s12+$0x0] =	vst v62;
	v1 =	vmul.f32 v1, v54;
	v2 =	vsub.f32 $2.000000000e+03, v2  }
0x270: {  	[tilespmem:s12+$0xFFFFFFE0] =	vst v3;
	v0 =	vmul.f32 v0, v54  }
0x271: {  	s10 =	sadd.s32 $0x1, s10;
	[tilespmem:s31+$0xFFFFFFF0] =	vst v1;
	v1 =	vmul.f32 v2, v54  }
0x272: {  	p0 =	sne.s32 s10, s6;
	[tilespmem:s31+$0x0] =	vst v0  }
.Ltmp1:
0x273: {  	[tilespmem:s31+$0xFFFFFFE0] =	vst v1;
	(pc) =	sbr.rel @p0 .LBB2_1-.Ltmp1, $4  }
0x274: {  	[hbm4b:s5+s1] =	stream.linear.scatter [tilespmem:s9], [sflag:$0x1], $0x500, $0x38;
	[tilespmem:$0x2600] =	vst v63  }
0x275: {  	_ =	swait.ge [sflag:s7], $0x500  }
0x276: {  	[sflag:s7] =	ssyncset.done $0x0  }
0x277: {  	v0 =	vimm.s32 $0x400;
	v1 =	vimm.s32 $0x200;
	[sflag:s7] =	ssyncadd.s32 $0xFFFFFB00  }
0x278: {  	_ =	sfence.sel $0x180000  }
0x279: {  	[bflag:$0x0] =	sbarrier.arrive $0xFFFF  }
0x27a: {  	p0 =	sne.s32 s2, $0x0;
	_ =	strace $0x90000047  }
0x27b: {  	s0 =	sadd.s32 @!p0 $0x100000, s0;
	[bflag:$0x2] =	sbarrier.arrive $0xFFFF  }
0x27c: {  	[sflag:s0] =	ssyncadd.tile.s32 @!p0 $0x1;
	_ =	shalt  }
.Lfunc_end2:
_tile_overlayer_lowered:
.L_overlay_start_2:
0x27d: {  	(tag) =	ssettag $0x2  }
0x27e: {  	s0 =	rddreg [dreg:$0x0];
	s2 =	stileid.u32  }
0x27f: {  	s1 =	rddreg [dreg:$0x1];
	p0 =	sne.s32 s2, $0x0  }
0x280: {  	s3 =	rddreg [dreg:$0x2];
	[bflag:$0x3] =	sbarrier.arrive $0xFFFF;
	s2 =	simm.s32 @!p0 $0x1C01  }
0x281: {  	[timem:s3], [sflag:s2] =	dma.local @!p0 [hbm:s0], s1  }
0x282: {  	s0 =	simm.s32 @!p0 $0x1  }
0x283: {  	_ =	swait.ge @!p0 [sflag:s0], s1  }
0x284: {  	s1 =	ssub.s32 @!p0 $0x0, s1;
	[sflag:s0] =	ssyncset.done @!p0 $0x0  }
0x285: {  	[sflag:s0] =	ssyncadd.s32 @!p0 s1  }
0x286: {  	[bflag:$0x3] =	sbarrier.arrive $0xFFFF  }
0x287: {  	_ =	shalt  }

</sc_bundles>
